<compile_context>
chip_gen: v7x
topology: tpu7x:2x2x1
jax: 0.10.2.dev20260603
libtpu: 0.0.44.dev20260713+nightly
codegen_flags: <defaults>
</compile_context>

<pallas_src>
import functools

import jax
import jax.numpy as jnp
from jax import lax
from jax.experimental import pallas as pl
from jax.experimental.pallas import tpu as pltpu
from jax.experimental.pallas import tpu_sc as plsc

N_TOK = 9216
K = 1024
D = 64
BLK = 1152
GRID = N_TOK // BLK
LOSS_SCALE = 1.25 / (N_TOK * D)


def _tc_body(x_hbm, w_hbm, idx_ref, loss_ref, xbuf, wbuf, xsems, wsem):
    wcp = pltpu.make_async_copy(w_hbm, wbuf, wsem)
    wcp.start()

    def start_fetch(i):
        cp = pltpu.make_async_copy(
            x_hbm.at[pl.ds(i * BLK, BLK), :], xbuf.at[i % 2], xsems.at[i % 2])
        cp.start()
        return cp

    fetches = [start_fetch(0)]
    wcp.wait()
    w = wbuf[...]
    w2 = jnp.sum(w * w, axis=1, keepdims=True)
    rows = lax.broadcasted_iota(jnp.int32, (K, BLK), 0)

    acc = jnp.zeros((), jnp.float32)
    for i in range(GRID):
        if i + 1 < GRID:
            fetches.append(start_fetch(i + 1))
        fetches[i].wait()
        x = xbuf[i % 2]
        wx = lax.dot_general(w, x, (((1,), (1,)), ((), ())),
                             preferred_element_type=jnp.float32)
        x2 = jnp.sum(x * x, axis=1, keepdims=True).T
        d2 = x2 + w2 - 2.0 * wx
        d2c = jnp.maximum(d2, 0.0)
        m2 = jnp.min(d2c, axis=0, keepdims=True)
        eqm = d2c == m2
        idx_fast = jnp.min(jnp.where(eqm, rows, K), axis=0, keepdims=True)
        idx_ref[pl.ds(i, 1), :, :] = idx_fast.reshape(1, 1, BLK)
        m2b = jnp.min(jnp.where(eqm, jnp.inf, d2c), axis=0, keepdims=True)
        tie_risk = jnp.any(m2b <= m2 * (1.0 + 1e-6))

        @pl.when(tie_risk)
        def _():
            dist = jnp.sqrt(d2c)
            m = jnp.min(dist, axis=0, keepdims=True)
            idx = jnp.min(jnp.where(dist == m, rows, K), axis=0, keepdims=True)
            idx_ref[pl.ds(i, 1), :, :] = idx.reshape(1, 1, BLK)

        acc = acc + jnp.sum(m2)

    loss_ref[...] = (acc * LOSS_SCALE).reshape(1, 1)


_tc_call = pl.pallas_call(
    _tc_body,
    grid=(1,),
    in_specs=[
        pl.BlockSpec(memory_space=pl.ANY),
        pl.BlockSpec(memory_space=pl.ANY),
    ],
    out_specs=[
        pl.BlockSpec((GRID, 1, BLK), lambda i: (0, 0, 0)),
        pl.BlockSpec((1, 1), lambda i: (0, 0)),
    ],
    out_shape=[
        jax.ShapeDtypeStruct((GRID, 1, BLK), jnp.int32),
        jax.ShapeDtypeStruct((1, 1), jnp.float32),
    ],
    scratch_shapes=[
        pltpu.VMEM((2, BLK, D), jnp.float32),
        pltpu.VMEM((K, D), jnp.float32),
        pltpu.SemaphoreType.DMA((2,)),
        pltpu.SemaphoreType.DMA,
    ],
)


_NC, _NS = 2, 16
_NW = _NC * _NS
_B_PER_W = N_TOK // _NW
DPAD = 128
_CHUNKS = 3
_CHUNK = _B_PER_W // _CHUNKS


@functools.lru_cache(maxsize=1)
def _make_sc_gather():
    mesh = plsc.VectorSubcoreMesh(
        core_axis_name="c", subcore_axis_name="s",
        num_cores=_NC, num_subcores=_NS,
    )

    @functools.partial(
        pl.kernel,
        mesh=mesh,
        out_type=[
            jax.ShapeDtypeStruct((N_TOK, DPAD), jnp.float32),
            jax.ShapeDtypeStruct((N_TOK,), jnp.int32),
        ],
        scratch_types=[
            pltpu.VMEM((_CHUNKS, _CHUNK), jnp.int32),
            pltpu.VMEM((_B_PER_W, DPAD), jnp.float32),
            pltpu.SemaphoreType.DMA,
            pltpu.SemaphoreType.DMA,
            pltpu.SemaphoreType.DMA,
        ],
    )
    def _sc_gather(table_hbm, idx_hbm, out_hbm, idxout_hbm, idx_v, rows_v,
                   sem, sem2, sem3):
        wid = lax.axis_index("s") * _NC + lax.axis_index("c")
        base = wid * _B_PER_W
        pltpu.sync_copy(idx_hbm.at[wid], idx_v)
        copies = [
            pltpu.async_copy(
                table_hbm.at[idx_v.at[j]],
                rows_v.at[pl.ds(j * _CHUNK, _CHUNK)],
                sem,
            )
            for j in range(_CHUNKS)
        ]
        iocopies = [
            pltpu.async_copy(
                idx_v.at[j],
                idxout_hbm.at[pl.ds(base + j * _CHUNK, _CHUNK)],
                sem2,
            )
            for j in range(_CHUNKS)
        ]
        outcopies = []
        for j in range(_CHUNKS):
            copies[j].wait()
            outcopies.append(pltpu.async_copy(
                rows_v.at[pl.ds(j * _CHUNK, _CHUNK)],
                out_hbm.at[pl.ds(base + j * _CHUNK, _CHUNK)],
                sem3,
            ))
        for cp in iocopies:
            cp.wait()
        for cp in outcopies:
            cp.wait()

    return _sc_gather


def kernel(x, W):
    idx3d, loss = _tc_call(x, W)
    W_pad = jnp.pad(W, ((0, 0), (0, DPAD - D)))
    idx_rows = idx3d.reshape(_NW, _CHUNKS, _CHUNK)
    quantised_pad, idx = _make_sc_gather()(W_pad, idx_rows)
    return quantised_pad[:, :D], loss[0, 0], idx

# --- scband reference (transcript-rebuilt; emitter-appended) ---
"""Pipeline reference for scband-quantiser-26061861552625 (READ-ONLY COPY).

The authoritative reference and input builder live on the scoring server;
editing this copy changes nothing except your own understanding.
"""

import jax, jax.numpy as jnp
import numpy as np

VOCAB_SIZE = 1024
COMM_DIM = 64
COMMITMENT_COST = 0.25
N_TOKENS = 9216


def setup_inputs(seed: int = 0) -> dict:
    key = jax.random.key(seed)
    kx, kw = jax.random.split(key)
    x = jax.random.normal(kx, (N_TOKENS, COMM_DIM), dtype=jnp.float32)
    # embedding.weight.data.uniform_(-0.5, 0.5)
    W = jax.random.uniform(kw, (VOCAB_SIZE, COMM_DIM), dtype=jnp.float32, minval=-0.5, maxval=0.5)
    return {"x": x, "W": W}


def _cdist_l2(x, W):
    # Euclidean distance, equivalent to torch.cdist(x, W, p=2.0)
    x2 = jnp.sum(x * x, axis=-1, keepdims=True)          # [N, 1]
    w2 = jnp.sum(W * W, axis=-1)                          # [K]
    d2 = x2 + w2[None, :] - 2.0 * (x @ W.T)               # [N, K]
    return jnp.sqrt(jnp.clip(d2, 0.0, None))


def reference(x, W):
    # eval-mode forward (training-only buffer mutation / dead-code resampling skipped)
    distances = _cdist_l2(x, W)
    min_distance_index = jnp.argmin(distances, axis=-1)   # [N]
    quantised = jnp.take(W, min_distance_index, axis=0)   # embedding lookup
    codebook_loss = jnp.mean((quantised - jax.lax.stop_gradient(x)) ** 2)
    e_latent_loss = jnp.mean((jax.lax.stop_gradient(quantised) - x) ** 2)
    loss = codebook_loss + COMMITMENT_COST * e_latent_loss
    quantised_st = x + jax.lax.stop_gradient(quantised - x)
    return (quantised_st, loss, min_distance_index)

if __name__ == "__main__":
    import jax
    _d = setup_inputs()
    print(jax.jit(kernel)(*tuple(_d.values())))

</pallas_src>

<mosaic_0001>
#map = affine_map<(d0, d1) -> (0, 0)>
#map1 = affine_map<(d0, d1) -> (0, 0, 0)>
#map2 = affine_map<(d0, d1) -> (0)>
module attributes {stable_mosaic.version = 14 : i64} {
  func.func @_sc_gather(%arg0: i32, %arg1: i32, %arg2: memref<1024x128xf32, #tpu.memory_space<hbm>>, %arg3: memref<32x3x96xi32, #tpu.memory_space<hbm>>, %arg4: memref<9216x128xf32, #tpu.memory_space<hbm>>, %arg5: memref<9216xi32, #tpu.memory_space<hbm>>, %arg6: memref<3x96xi32, #tpu.memory_space<vmem>>, %arg7: memref<288x128xf32, #tpu.memory_space<vmem>>, %arg8: memref<!tpu.dma_semaphore, #tpu.memory_space<semaphore_mem>>, %arg9: memref<!tpu.dma_semaphore, #tpu.memory_space<semaphore_mem>>, %arg10: memref<!tpu.dma_semaphore, #tpu.memory_space<semaphore_mem>>) attributes {dimension_semantics = [#tpu.dimension_semantics<core_parallel>, #tpu.dimension_semantics<subcore_parallel>], iteration_bounds = array<i64: 2, 16>, scalar_prefetch = 0 : i64, scratch_operands = 5 : i64, tpu.core_type = #tpu.core_type<sc_vector_subcore>, window_params = [{transform_indices = #map}, {transform_indices = #map1}, {transform_indices = #map}, {transform_indices = #map2}]} {
    %mul3A = arith.constant 2 : i32
    %mul3A_0 = arith.muli %arg1, %mul3A : i32
    %add3A = arith.addi %mul3A_0, %arg0 : i32
    %mul3A_1 = arith.constant 288 : i32
    %mul3A_2 = arith.muli %add3A, %mul3A_1 : i32
    "tpu.region"() ({
      %run_scoped3A = tpu.sem_alloc : memref<!tpu.dma_semaphore, #tpu.memory_space<semaphore_mem>>
      %dma_start3A_187 = arith.constant 0 : i32
      %dma_start3A_188 = arith.constant 0 : i32
      %dma_start3A_189 = tpu.memref_slice %arg3[%add3A, %dma_start3A_187, %dma_start3A_188] : memref<32x3x96xi32, #tpu.memory_space<hbm>> -> memref<1x3x96xi32, #tpu.memory_space<hbm>>
      %dma_start3A_190 = tpu.memref_squeeze %dma_start3A_189 : memref<1x3x96xi32, #tpu.memory_space<hbm>> -> memref<3x96xi32, #tpu.memory_space<hbm>>
      %dma_start3A_191 = arith.constant 0 : i32
      %dma_start3A_192 = arith.constant 0 : i32
      %dma_start3A_193 = tpu.memref_slice %arg3[%add3A, %dma_start3A_191, %dma_start3A_192] : memref<32x3x96xi32, #tpu.memory_space<hbm>> -> memref<1x3x96xi32, #tpu.memory_space<hbm>>
      %dma_start3A_194 = tpu.memref_squeeze %dma_start3A_193 : memref<1x3x96xi32, #tpu.memory_space<hbm>> -> memref<3x96xi32, #tpu.memory_space<hbm>>
      tpu.enqueue_dma source(%dma_start3A_194 : memref<3x96xi32, #tpu.memory_space<hbm>>) target(%arg6 : memref<3x96xi32, #tpu.memory_space<vmem>>) target_semaphore(%run_scoped3A : memref<!tpu.dma_semaphore, #tpu.memory_space<semaphore_mem>>)
      %dma_wait3A_195 = arith.constant 0 : i32
      %dma_wait3A_196 = arith.constant 0 : i32
      %dma_wait3A_197 = tpu.memref_slice %arg3[%add3A, %dma_wait3A_195, %dma_wait3A_196] : memref<32x3x96xi32, #tpu.memory_space<hbm>> -> memref<1x3x96xi32, #tpu.memory_space<hbm>>
      %dma_wait3A_198 = tpu.memref_squeeze %dma_wait3A_197 : memref<1x3x96xi32, #tpu.memory_space<hbm>> -> memref<3x96xi32, #tpu.memory_space<hbm>>
      %dma_wait3A_199 = arith.constant 0 : i32
      %dma_wait3A_200 = arith.constant 0 : i32
      %dma_wait3A_201 = tpu.memref_slice %arg3[%add3A, %dma_wait3A_199, %dma_wait3A_200] : memref<32x3x96xi32, #tpu.memory_space<hbm>> -> memref<1x3x96xi32, #tpu.memory_space<hbm>>
      %dma_wait3A_202 = tpu.memref_squeeze %dma_wait3A_201 : memref<1x3x96xi32, #tpu.memory_space<hbm>> -> memref<3x96xi32, #tpu.memory_space<hbm>>
      tpu.wait_dma2 semaphore(%run_scoped3A : memref<!tpu.dma_semaphore, #tpu.memory_space<semaphore_mem>>) src(%dma_wait3A_202 : memref<3x96xi32, #tpu.memory_space<hbm>>) dst(%arg6 : memref<3x96xi32, #tpu.memory_space<vmem>>)
      tpu.yield
    }) : () -> ()
    %dma_start3A = arith.constant 0 : i32
    %dma_start3A_3 = arith.constant 0 : i32
    %dma_start3A_4 = arith.constant 0 : i32
    %dma_start3A_5 = tpu.memref_slice %arg7[%dma_start3A_3, %dma_start3A_4] : memref<288x128xf32, #tpu.memory_space<vmem>> -> memref<96x128xf32, #tpu.memory_space<vmem>>
    %dma_start3A_6 = arith.constant 0 : i32
    %dma_start3A_7 = tpu.memref_slice %arg6[%dma_start3A, %dma_start3A_6] : memref<3x96xi32, #tpu.memory_space<vmem>> -> memref<1x96xi32, #tpu.memory_space<vmem>>
    %dma_start3A_8 = tpu.memref_squeeze %dma_start3A_7 : memref<1x96xi32, #tpu.memory_space<vmem>> -> memref<96xi32, #tpu.memory_space<vmem>>
    %dma_start3A_9 = arith.constant 0 : i32
    %dma_start3A_10 = arith.constant 0 : i32
    %dma_start3A_11 = tpu.memref_slice %arg2[%dma_start3A_9, %dma_start3A_10] : memref<1024x128xf32, #tpu.memory_space<hbm>> -> memref<1024x128xf32, #tpu.memory_space<hbm>>
    tpu.enqueue_indirect_dma source(%dma_start3A_11 : memref<1024x128xf32, #tpu.memory_space<hbm>>) target(%dma_start3A_5 : memref<96x128xf32, #tpu.memory_space<vmem>>) offsets(%dma_start3A_8 : memref<96xi32, #tpu.memory_space<vmem>>) semaphore(%arg8 : memref<!tpu.dma_semaphore, #tpu.memory_space<semaphore_mem>>)
    %dma_start3A_12 = arith.constant 1 : i32
    %dma_start3A_13 = arith.constant 96 : i32
    %dma_start3A_14 = arith.constant 0 : i32
    %dma_start3A_15 = tpu.memref_slice %arg7[%dma_start3A_13, %dma_start3A_14] : memref<288x128xf32, #tpu.memory_space<vmem>> -> memref<96x128xf32, #tpu.memory_space<vmem>>
    %dma_start3A_16 = arith.constant 0 : i32
    %dma_start3A_17 = tpu.memref_slice %arg6[%dma_start3A_12, %dma_start3A_16] : memref<3x96xi32, #tpu.memory_space<vmem>> -> memref<1x96xi32, #tpu.memory_space<vmem>>
    %dma_start3A_18 = tpu.memref_squeeze %dma_start3A_17 : memref<1x96xi32, #tpu.memory_space<vmem>> -> memref<96xi32, #tpu.memory_space<vmem>>
    %dma_start3A_19 = arith.constant 0 : i32
    %dma_start3A_20 = arith.constant 0 : i32
    %dma_start3A_21 = tpu.memref_slice %arg2[%dma_start3A_19, %dma_start3A_20] : memref<1024x128xf32, #tpu.memory_space<hbm>> -> memref<1024x128xf32, #tpu.memory_space<hbm>>
    tpu.enqueue_indirect_dma source(%dma_start3A_21 : memref<1024x128xf32, #tpu.memory_space<hbm>>) target(%dma_start3A_15 : memref<96x128xf32, #tpu.memory_space<vmem>>) offsets(%dma_start3A_18 : memref<96xi32, #tpu.memory_space<vmem>>) semaphore(%arg8 : memref<!tpu.dma_semaphore, #tpu.memory_space<semaphore_mem>>)
    %dma_start3A_22 = arith.constant 2 : i32
    %dma_start3A_23 = arith.constant 192 : i32
    %dma_start3A_24 = arith.constant 0 : i32
    %dma_start3A_25 = tpu.memref_slice %arg7[%dma_start3A_23, %dma_start3A_24] : memref<288x128xf32, #tpu.memory_space<vmem>> -> memref<96x128xf32, #tpu.memory_space<vmem>>
    %dma_start3A_26 = arith.constant 0 : i32
    %dma_start3A_27 = tpu.memref_slice %arg6[%dma_start3A_22, %dma_start3A_26] : memref<3x96xi32, #tpu.memory_space<vmem>> -> memref<1x96xi32, #tpu.memory_space<vmem>>
    %dma_start3A_28 = tpu.memref_squeeze %dma_start3A_27 : memref<1x96xi32, #tpu.memory_space<vmem>> -> memref<96xi32, #tpu.memory_space<vmem>>
    %dma_start3A_29 = arith.constant 0 : i32
    %dma_start3A_30 = arith.constant 0 : i32
    %dma_start3A_31 = tpu.memref_slice %arg2[%dma_start3A_29, %dma_start3A_30] : memref<1024x128xf32, #tpu.memory_space<hbm>> -> memref<1024x128xf32, #tpu.memory_space<hbm>>
    tpu.enqueue_indirect_dma source(%dma_start3A_31 : memref<1024x128xf32, #tpu.memory_space<hbm>>) target(%dma_start3A_25 : memref<96x128xf32, #tpu.memory_space<vmem>>) offsets(%dma_start3A_28 : memref<96xi32, #tpu.memory_space<vmem>>) semaphore(%arg8 : memref<!tpu.dma_semaphore, #tpu.memory_space<semaphore_mem>>)
    %add3A_32 = arith.constant 0 : i32
    %add3A_33 = arith.addi %mul3A_2, %add3A_32 : i32
    %dma_start3A_34 = arith.constant 0 : i32
    %dma_start3A_35 = arith.constant 0 : i32
    %dma_start3A_36 = tpu.memref_slice %arg6[%dma_start3A_34, %dma_start3A_35] : memref<3x96xi32, #tpu.memory_space<vmem>> -> memref<1x96xi32, #tpu.memory_space<vmem>>
    %dma_start3A_37 = tpu.memref_squeeze %dma_start3A_36 : memref<1x96xi32, #tpu.memory_space<vmem>> -> memref<96xi32, #tpu.memory_space<vmem>>
    %dma_start3A_38 = tpu.memref_slice %arg5[%add3A_33] : memref<9216xi32, #tpu.memory_space<hbm>> -> memref<96xi32, #tpu.memory_space<hbm>>
    %dma_start3A_39 = tpu.memref_slice %arg5[%add3A_33] : memref<9216xi32, #tpu.memory_space<hbm>> -> memref<96xi32, #tpu.memory_space<hbm>>
    %dma_start3A_40 = arith.constant 0 : i32
    %dma_start3A_41 = tpu.memref_slice %arg6[%dma_start3A_34, %dma_start3A_40] : memref<3x96xi32, #tpu.memory_space<vmem>> -> memref<1x96xi32, #tpu.memory_space<vmem>>
    %dma_start3A_42 = tpu.memref_squeeze %dma_start3A_41 : memref<1x96xi32, #tpu.memory_space<vmem>> -> memref<96xi32, #tpu.memory_space<vmem>>
    tpu.enqueue_dma source(%dma_start3A_42 : memref<96xi32, #tpu.memory_space<vmem>>) target(%dma_start3A_39 : memref<96xi32, #tpu.memory_space<hbm>>) target_semaphore(%arg9 : memref<!tpu.dma_semaphore, #tpu.memory_space<semaphore_mem>>)
    %add3A_43 = arith.constant 96 : i32
    %add3A_44 = arith.addi %mul3A_2, %add3A_43 : i32
    %dma_start3A_45 = arith.constant 1 : i32
    %dma_start3A_46 = arith.constant 0 : i32
    %dma_start3A_47 = tpu.memref_slice %arg6[%dma_start3A_45, %dma_start3A_46] : memref<3x96xi32, #tpu.memory_space<vmem>> -> memref<1x96xi32, #tpu.memory_space<vmem>>
    %dma_start3A_48 = tpu.memref_squeeze %dma_start3A_47 : memref<1x96xi32, #tpu.memory_space<vmem>> -> memref<96xi32, #tpu.memory_space<vmem>>
    %dma_start3A_49 = tpu.memref_slice %arg5[%add3A_44] : memref<9216xi32, #tpu.memory_space<hbm>> -> memref<96xi32, #tpu.memory_space<hbm>>
    %dma_start3A_50 = tpu.memref_slice %arg5[%add3A_44] : memref<9216xi32, #tpu.memory_space<hbm>> -> memref<96xi32, #tpu.memory_space<hbm>>
    %dma_start3A_51 = arith.constant 0 : i32
    %dma_start3A_52 = tpu.memref_slice %arg6[%dma_start3A_45, %dma_start3A_51] : memref<3x96xi32, #tpu.memory_space<vmem>> -> memref<1x96xi32, #tpu.memory_space<vmem>>
    %dma_start3A_53 = tpu.memref_squeeze %dma_start3A_52 : memref<1x96xi32, #tpu.memory_space<vmem>> -> memref<96xi32, #tpu.memory_space<vmem>>
    tpu.enqueue_dma source(%dma_start3A_53 : memref<96xi32, #tpu.memory_space<vmem>>) target(%dma_start3A_50 : memref<96xi32, #tpu.memory_space<hbm>>) target_semaphore(%arg9 : memref<!tpu.dma_semaphore, #tpu.memory_space<semaphore_mem>>)
    %add3A_54 = arith.constant 192 : i32
    %add3A_55 = arith.addi %mul3A_2, %add3A_54 : i32
    %dma_start3A_56 = arith.constant 2 : i32
    %dma_start3A_57 = arith.constant 0 : i32
    %dma_start3A_58 = tpu.memref_slice %arg6[%dma_start3A_56, %dma_start3A_57] : memref<3x96xi32, #tpu.memory_space<vmem>> -> memref<1x96xi32, #tpu.memory_space<vmem>>
    %dma_start3A_59 = tpu.memref_squeeze %dma_start3A_58 : memref<1x96xi32, #tpu.memory_space<vmem>> -> memref<96xi32, #tpu.memory_space<vmem>>
    %dma_start3A_60 = tpu.memref_slice %arg5[%add3A_55] : memref<9216xi32, #tpu.memory_space<hbm>> -> memref<96xi32, #tpu.memory_space<hbm>>
    %dma_start3A_61 = tpu.memref_slice %arg5[%add3A_55] : memref<9216xi32, #tpu.memory_space<hbm>> -> memref<96xi32, #tpu.memory_space<hbm>>
    %dma_start3A_62 = arith.constant 0 : i32
    %dma_start3A_63 = tpu.memref_slice %arg6[%dma_start3A_56, %dma_start3A_62] : memref<3x96xi32, #tpu.memory_space<vmem>> -> memref<1x96xi32, #tpu.memory_space<vmem>>
    %dma_start3A_64 = tpu.memref_squeeze %dma_start3A_63 : memref<1x96xi32, #tpu.memory_space<vmem>> -> memref<96xi32, #tpu.memory_space<vmem>>
    tpu.enqueue_dma source(%dma_start3A_64 : memref<96xi32, #tpu.memory_space<vmem>>) target(%dma_start3A_61 : memref<96xi32, #tpu.memory_space<hbm>>) target_semaphore(%arg9 : memref<!tpu.dma_semaphore, #tpu.memory_space<semaphore_mem>>)
    %dma_wait3A = arith.constant 0 : i32
    %dma_wait3A_65 = arith.constant 0 : i32
    %dma_wait3A_66 = arith.constant 0 : i32
    %dma_wait3A_67 = tpu.memref_slice %arg7[%dma_wait3A_65, %dma_wait3A_66] : memref<288x128xf32, #tpu.memory_space<vmem>> -> memref<96x128xf32, #tpu.memory_space<vmem>>
    %dma_wait3A_68 = arith.constant 0 : i32
    %dma_wait3A_69 = tpu.memref_slice %arg6[%dma_wait3A, %dma_wait3A_68] : memref<3x96xi32, #tpu.memory_space<vmem>> -> memref<1x96xi32, #tpu.memory_space<vmem>>
    %dma_wait3A_70 = tpu.memref_squeeze %dma_wait3A_69 : memref<1x96xi32, #tpu.memory_space<vmem>> -> memref<96xi32, #tpu.memory_space<vmem>>
    %dma_wait3A_71 = arith.constant 0 : i32
    %dma_wait3A_72 = arith.constant 0 : i32
    %dma_wait3A_73 = tpu.memref_slice %arg2[%dma_wait3A_71, %dma_wait3A_72] : memref<1024x128xf32, #tpu.memory_space<hbm>> -> memref<1024x128xf32, #tpu.memory_space<hbm>>
    tpu.wait_indirect_dma semaphore(%arg8 : memref<!tpu.dma_semaphore, #tpu.memory_space<semaphore_mem>>) src(%dma_wait3A_73 : memref<1024x128xf32, #tpu.memory_space<hbm>>) dst(%dma_wait3A_67 : memref<96x128xf32, #tpu.memory_space<vmem>>)
    %add3A_74 = arith.constant 0 : i32
    %add3A_75 = arith.addi %mul3A_2, %add3A_74 : i32
    %dma_start3A_76 = arith.constant 0 : i32
    %dma_start3A_77 = arith.constant 0 : i32
    %dma_start3A_78 = tpu.memref_slice %arg7[%dma_start3A_76, %dma_start3A_77] : memref<288x128xf32, #tpu.memory_space<vmem>> -> memref<96x128xf32, #tpu.memory_space<vmem>>
    %dma_start3A_79 = arith.constant 0 : i32
    %dma_start3A_80 = tpu.memref_slice %arg4[%add3A_75, %dma_start3A_79] : memref<9216x128xf32, #tpu.memory_space<hbm>> -> memref<96x128xf32, #tpu.memory_space<hbm>>
    %dma_start3A_81 = arith.constant 0 : i32
    %dma_start3A_82 = tpu.memref_slice %arg4[%add3A_75, %dma_start3A_81] : memref<9216x128xf32, #tpu.memory_space<hbm>> -> memref<96x128xf32, #tpu.memory_space<hbm>>
    %dma_start3A_83 = arith.constant 0 : i32
    %dma_start3A_84 = arith.constant 0 : i32
    %dma_start3A_85 = tpu.memref_slice %arg7[%dma_start3A_83, %dma_start3A_84] : memref<288x128xf32, #tpu.memory_space<vmem>> -> memref<96x128xf32, #tpu.memory_space<vmem>>
    tpu.enqueue_dma source(%dma_start3A_85 : memref<96x128xf32, #tpu.memory_space<vmem>>) target(%dma_start3A_82 : memref<96x128xf32, #tpu.memory_space<hbm>>) target_semaphore(%arg10 : memref<!tpu.dma_semaphore, #tpu.memory_space<semaphore_mem>>)
    %dma_wait3A_86 = arith.constant 1 : i32
    %dma_wait3A_87 = arith.constant 96 : i32
    %dma_wait3A_88 = arith.constant 0 : i32
    %dma_wait3A_89 = tpu.memref_slice %arg7[%dma_wait3A_87, %dma_wait3A_88] : memref<288x128xf32, #tpu.memory_space<vmem>> -> memref<96x128xf32, #tpu.memory_space<vmem>>
    %dma_wait3A_90 = arith.constant 0 : i32
    %dma_wait3A_91 = tpu.memref_slice %arg6[%dma_wait3A_86, %dma_wait3A_90] : memref<3x96xi32, #tpu.memory_space<vmem>> -> memref<1x96xi32, #tpu.memory_space<vmem>>
    %dma_wait3A_92 = tpu.memref_squeeze %dma_wait3A_91 : memref<1x96xi32, #tpu.memory_space<vmem>> -> memref<96xi32, #tpu.memory_space<vmem>>
    %dma_wait3A_93 = arith.constant 0 : i32
    %dma_wait3A_94 = arith.constant 0 : i32
    %dma_wait3A_95 = tpu.memref_slice %arg2[%dma_wait3A_93, %dma_wait3A_94] : memref<1024x128xf32, #tpu.memory_space<hbm>> -> memref<1024x128xf32, #tpu.memory_space<hbm>>
    tpu.wait_indirect_dma semaphore(%arg8 : memref<!tpu.dma_semaphore, #tpu.memory_space<semaphore_mem>>) src(%dma_wait3A_95 : memref<1024x128xf32, #tpu.memory_space<hbm>>) dst(%dma_wait3A_89 : memref<96x128xf32, #tpu.memory_space<vmem>>)
    %add3A_96 = arith.constant 96 : i32
    %add3A_97 = arith.addi %mul3A_2, %add3A_96 : i32
    %dma_start3A_98 = arith.constant 96 : i32
    %dma_start3A_99 = arith.constant 0 : i32
    %dma_start3A_100 = tpu.memref_slice %arg7[%dma_start3A_98, %dma_start3A_99] : memref<288x128xf32, #tpu.memory_space<vmem>> -> memref<96x128xf32, #tpu.memory_space<vmem>>
    %dma_start3A_101 = arith.constant 0 : i32
    %dma_start3A_102 = tpu.memref_slice %arg4[%add3A_97, %dma_start3A_101] : memref<9216x128xf32, #tpu.memory_space<hbm>> -> memref<96x128xf32, #tpu.memory_space<hbm>>
    %dma_start3A_103 = arith.constant 0 : i32
    %dma_start3A_104 = tpu.memref_slice %arg4[%add3A_97, %dma_start3A_103] : memref<9216x128xf32, #tpu.memory_space<hbm>> -> memref<96x128xf32, #tpu.memory_space<hbm>>
    %dma_start3A_105 = arith.constant 96 : i32
    %dma_start3A_106 = arith.constant 0 : i32
    %dma_start3A_107 = tpu.memref_slice %arg7[%dma_start3A_105, %dma_start3A_106] : memref<288x128xf32, #tpu.memory_space<vmem>> -> memref<96x128xf32, #tpu.memory_space<vmem>>
    tpu.enqueue_dma source(%dma_start3A_107 : memref<96x128xf32, #tpu.memory_space<vmem>>) target(%dma_start3A_104 : memref<96x128xf32, #tpu.memory_space<hbm>>) target_semaphore(%arg10 : memref<!tpu.dma_semaphore, #tpu.memory_space<semaphore_mem>>)
    %dma_wait3A_108 = arith.constant 2 : i32
    %dma_wait3A_109 = arith.constant 192 : i32
    %dma_wait3A_110 = arith.constant 0 : i32
    %dma_wait3A_111 = tpu.memref_slice %arg7[%dma_wait3A_109, %dma_wait3A_110] : memref<288x128xf32, #tpu.memory_space<vmem>> -> memref<96x128xf32, #tpu.memory_space<vmem>>
    %dma_wait3A_112 = arith.constant 0 : i32
    %dma_wait3A_113 = tpu.memref_slice %arg6[%dma_wait3A_108, %dma_wait3A_112] : memref<3x96xi32, #tpu.memory_space<vmem>> -> memref<1x96xi32, #tpu.memory_space<vmem>>
    %dma_wait3A_114 = tpu.memref_squeeze %dma_wait3A_113 : memref<1x96xi32, #tpu.memory_space<vmem>> -> memref<96xi32, #tpu.memory_space<vmem>>
    %dma_wait3A_115 = arith.constant 0 : i32
    %dma_wait3A_116 = arith.constant 0 : i32
    %dma_wait3A_117 = tpu.memref_slice %arg2[%dma_wait3A_115, %dma_wait3A_116] : memref<1024x128xf32, #tpu.memory_space<hbm>> -> memref<1024x128xf32, #tpu.memory_space<hbm>>
    tpu.wait_indirect_dma semaphore(%arg8 : memref<!tpu.dma_semaphore, #tpu.memory_space<semaphore_mem>>) src(%dma_wait3A_117 : memref<1024x128xf32, #tpu.memory_space<hbm>>) dst(%dma_wait3A_111 : memref<96x128xf32, #tpu.memory_space<vmem>>)
    %add3A_118 = arith.constant 192 : i32
    %add3A_119 = arith.addi %mul3A_2, %add3A_118 : i32
    %dma_start3A_120 = arith.constant 192 : i32
    %dma_start3A_121 = arith.constant 0 : i32
    %dma_start3A_122 = tpu.memref_slice %arg7[%dma_start3A_120, %dma_start3A_121] : memref<288x128xf32, #tpu.memory_space<vmem>> -> memref<96x128xf32, #tpu.memory_space<vmem>>
    %dma_start3A_123 = arith.constant 0 : i32
    %dma_start3A_124 = tpu.memref_slice %arg4[%add3A_119, %dma_start3A_123] : memref<9216x128xf32, #tpu.memory_space<hbm>> -> memref<96x128xf32, #tpu.memory_space<hbm>>
    %dma_start3A_125 = arith.constant 0 : i32
    %dma_start3A_126 = tpu.memref_slice %arg4[%add3A_119, %dma_start3A_125] : memref<9216x128xf32, #tpu.memory_space<hbm>> -> memref<96x128xf32, #tpu.memory_space<hbm>>
    %dma_start3A_127 = arith.constant 192 : i32
    %dma_start3A_128 = arith.constant 0 : i32
    %dma_start3A_129 = tpu.memref_slice %arg7[%dma_start3A_127, %dma_start3A_128] : memref<288x128xf32, #tpu.memory_space<vmem>> -> memref<96x128xf32, #tpu.memory_space<vmem>>
    tpu.enqueue_dma source(%dma_start3A_129 : memref<96x128xf32, #tpu.memory_space<vmem>>) target(%dma_start3A_126 : memref<96x128xf32, #tpu.memory_space<hbm>>) target_semaphore(%arg10 : memref<!tpu.dma_semaphore, #tpu.memory_space<semaphore_mem>>)
    %dma_wait3A_130 = arith.constant 0 : i32
    %dma_wait3A_131 = arith.constant 0 : i32
    %dma_wait3A_132 = tpu.memref_slice %arg6[%dma_wait3A_130, %dma_wait3A_131] : memref<3x96xi32, #tpu.memory_space<vmem>> -> memref<1x96xi32, #tpu.memory_space<vmem>>
    %dma_wait3A_133 = tpu.memref_squeeze %dma_wait3A_132 : memref<1x96xi32, #tpu.memory_space<vmem>> -> memref<96xi32, #tpu.memory_space<vmem>>
    %dma_wait3A_134 = tpu.memref_slice %arg5[%add3A_33] : memref<9216xi32, #tpu.memory_space<hbm>> -> memref<96xi32, #tpu.memory_space<hbm>>
    %dma_wait3A_135 = tpu.memref_slice %arg5[%add3A_33] : memref<9216xi32, #tpu.memory_space<hbm>> -> memref<96xi32, #tpu.memory_space<hbm>>
    %dma_wait3A_136 = arith.constant 0 : i32
    %dma_wait3A_137 = tpu.memref_slice %arg6[%dma_wait3A_130, %dma_wait3A_136] : memref<3x96xi32, #tpu.memory_space<vmem>> -> memref<1x96xi32, #tpu.memory_space<vmem>>
    %dma_wait3A_138 = tpu.memref_squeeze %dma_wait3A_137 : memref<1x96xi32, #tpu.memory_space<vmem>> -> memref<96xi32, #tpu.memory_space<vmem>>
    tpu.wait_dma2 semaphore(%arg9 : memref<!tpu.dma_semaphore, #tpu.memory_space<semaphore_mem>>) src(%dma_wait3A_138 : memref<96xi32, #tpu.memory_space<vmem>>) dst(%dma_wait3A_135 : memref<96xi32, #tpu.memory_space<hbm>>)
    %dma_wait3A_139 = arith.constant 1 : i32
    %dma_wait3A_140 = arith.constant 0 : i32
    %dma_wait3A_141 = tpu.memref_slice %arg6[%dma_wait3A_139, %dma_wait3A_140] : memref<3x96xi32, #tpu.memory_space<vmem>> -> memref<1x96xi32, #tpu.memory_space<vmem>>
    %dma_wait3A_142 = tpu.memref_squeeze %dma_wait3A_141 : memref<1x96xi32, #tpu.memory_space<vmem>> -> memref<96xi32, #tpu.memory_space<vmem>>
    %dma_wait3A_143 = tpu.memref_slice %arg5[%add3A_44] : memref<9216xi32, #tpu.memory_space<hbm>> -> memref<96xi32, #tpu.memory_space<hbm>>
    %dma_wait3A_144 = tpu.memref_slice %arg5[%add3A_44] : memref<9216xi32, #tpu.memory_space<hbm>> -> memref<96xi32, #tpu.memory_space<hbm>>
    %dma_wait3A_145 = arith.constant 0 : i32
    %dma_wait3A_146 = tpu.memref_slice %arg6[%dma_wait3A_139, %dma_wait3A_145] : memref<3x96xi32, #tpu.memory_space<vmem>> -> memref<1x96xi32, #tpu.memory_space<vmem>>
    %dma_wait3A_147 = tpu.memref_squeeze %dma_wait3A_146 : memref<1x96xi32, #tpu.memory_space<vmem>> -> memref<96xi32, #tpu.memory_space<vmem>>
    tpu.wait_dma2 semaphore(%arg9 : memref<!tpu.dma_semaphore, #tpu.memory_space<semaphore_mem>>) src(%dma_wait3A_147 : memref<96xi32, #tpu.memory_space<vmem>>) dst(%dma_wait3A_144 : memref<96xi32, #tpu.memory_space<hbm>>)
    %dma_wait3A_148 = arith.constant 2 : i32
    %dma_wait3A_149 = arith.constant 0 : i32
    %dma_wait3A_150 = tpu.memref_slice %arg6[%dma_wait3A_148, %dma_wait3A_149] : memref<3x96xi32, #tpu.memory_space<vmem>> -> memref<1x96xi32, #tpu.memory_space<vmem>>
    %dma_wait3A_151 = tpu.memref_squeeze %dma_wait3A_150 : memref<1x96xi32, #tpu.memory_space<vmem>> -> memref<96xi32, #tpu.memory_space<vmem>>
    %dma_wait3A_152 = tpu.memref_slice %arg5[%add3A_55] : memref<9216xi32, #tpu.memory_space<hbm>> -> memref<96xi32, #tpu.memory_space<hbm>>
    %dma_wait3A_153 = tpu.memref_slice %arg5[%add3A_55] : memref<9216xi32, #tpu.memory_space<hbm>> -> memref<96xi32, #tpu.memory_space<hbm>>
    %dma_wait3A_154 = arith.constant 0 : i32
    %dma_wait3A_155 = tpu.memref_slice %arg6[%dma_wait3A_148, %dma_wait3A_154] : memref<3x96xi32, #tpu.memory_space<vmem>> -> memref<1x96xi32, #tpu.memory_space<vmem>>
    %dma_wait3A_156 = tpu.memref_squeeze %dma_wait3A_155 : memref<1x96xi32, #tpu.memory_space<vmem>> -> memref<96xi32, #tpu.memory_space<vmem>>
    tpu.wait_dma2 semaphore(%arg9 : memref<!tpu.dma_semaphore, #tpu.memory_space<semaphore_mem>>) src(%dma_wait3A_156 : memref<96xi32, #tpu.memory_space<vmem>>) dst(%dma_wait3A_153 : memref<96xi32, #tpu.memory_space<hbm>>)
    %dma_wait3A_157 = arith.constant 0 : i32
    %dma_wait3A_158 = arith.constant 0 : i32
    %dma_wait3A_159 = tpu.memref_slice %arg7[%dma_wait3A_157, %dma_wait3A_158] : memref<288x128xf32, #tpu.memory_space<vmem>> -> memref<96x128xf32, #tpu.memory_space<vmem>>
    %dma_wait3A_160 = arith.constant 0 : i32
    %dma_wait3A_161 = tpu.memref_slice %arg4[%add3A_75, %dma_wait3A_160] : memref<9216x128xf32, #tpu.memory_space<hbm>> -> memref<96x128xf32, #tpu.memory_space<hbm>>
    %dma_wait3A_162 = arith.constant 0 : i32
    %dma_wait3A_163 = tpu.memref_slice %arg4[%add3A_75, %dma_wait3A_162] : memref<9216x128xf32, #tpu.memory_space<hbm>> -> memref<96x128xf32, #tpu.memory_space<hbm>>
    %dma_wait3A_164 = arith.constant 0 : i32
    %dma_wait3A_165 = arith.constant 0 : i32
    %dma_wait3A_166 = tpu.memref_slice %arg7[%dma_wait3A_164, %dma_wait3A_165] : memref<288x128xf32, #tpu.memory_space<vmem>> -> memref<96x128xf32, #tpu.memory_space<vmem>>
    tpu.wait_dma2 semaphore(%arg10 : memref<!tpu.dma_semaphore, #tpu.memory_space<semaphore_mem>>) src(%dma_wait3A_166 : memref<96x128xf32, #tpu.memory_space<vmem>>) dst(%dma_wait3A_163 : memref<96x128xf32, #tpu.memory_space<hbm>>)
    %dma_wait3A_167 = arith.constant 96 : i32
    %dma_wait3A_168 = arith.constant 0 : i32
    %dma_wait3A_169 = tpu.memref_slice %arg7[%dma_wait3A_167, %dma_wait3A_168] : memref<288x128xf32, #tpu.memory_space<vmem>> -> memref<96x128xf32, #tpu.memory_space<vmem>>
    %dma_wait3A_170 = arith.constant 0 : i32
    %dma_wait3A_171 = tpu.memref_slice %arg4[%add3A_97, %dma_wait3A_170] : memref<9216x128xf32, #tpu.memory_space<hbm>> -> memref<96x128xf32, #tpu.memory_space<hbm>>
    %dma_wait3A_172 = arith.constant 0 : i32
    %dma_wait3A_173 = tpu.memref_slice %arg4[%add3A_97, %dma_wait3A_172] : memref<9216x128xf32, #tpu.memory_space<hbm>> -> memref<96x128xf32, #tpu.memory_space<hbm>>
    %dma_wait3A_174 = arith.constant 96 : i32
    %dma_wait3A_175 = arith.constant 0 : i32
    %dma_wait3A_176 = tpu.memref_slice %arg7[%dma_wait3A_174, %dma_wait3A_175] : memref<288x128xf32, #tpu.memory_space<vmem>> -> memref<96x128xf32, #tpu.memory_space<vmem>>
    tpu.wait_dma2 semaphore(%arg10 : memref<!tpu.dma_semaphore, #tpu.memory_space<semaphore_mem>>) src(%dma_wait3A_176 : memref<96x128xf32, #tpu.memory_space<vmem>>) dst(%dma_wait3A_173 : memref<96x128xf32, #tpu.memory_space<hbm>>)
    %dma_wait3A_177 = arith.constant 192 : i32
    %dma_wait3A_178 = arith.constant 0 : i32
    %dma_wait3A_179 = tpu.memref_slice %arg7[%dma_wait3A_177, %dma_wait3A_178] : memref<288x128xf32, #tpu.memory_space<vmem>> -> memref<96x128xf32, #tpu.memory_space<vmem>>
    %dma_wait3A_180 = arith.constant 0 : i32
    %dma_wait3A_181 = tpu.memref_slice %arg4[%add3A_119, %dma_wait3A_180] : memref<9216x128xf32, #tpu.memory_space<hbm>> -> memref<96x128xf32, #tpu.memory_space<hbm>>
    %dma_wait3A_182 = arith.constant 0 : i32
    %dma_wait3A_183 = tpu.memref_slice %arg4[%add3A_119, %dma_wait3A_182] : memref<9216x128xf32, #tpu.memory_space<hbm>> -> memref<96x128xf32, #tpu.memory_space<hbm>>
    %dma_wait3A_184 = arith.constant 192 : i32
    %dma_wait3A_185 = arith.constant 0 : i32
    %dma_wait3A_186 = tpu.memref_slice %arg7[%dma_wait3A_184, %dma_wait3A_185] : memref<288x128xf32, #tpu.memory_space<vmem>> -> memref<96x128xf32, #tpu.memory_space<vmem>>
    tpu.wait_dma2 semaphore(%arg10 : memref<!tpu.dma_semaphore, #tpu.memory_space<semaphore_mem>>) src(%dma_wait3A_186 : memref<96x128xf32, #tpu.memory_space<vmem>>) dst(%dma_wait3A_183 : memref<96x128xf32, #tpu.memory_space<hbm>>)
    return
  }
}

module attributes {stable_mosaic.version = 14 : i64} {
  func.func @_tc_body(%arg0: i32, %arg1: memref<9216x64xf32, #tpu.memory_space<any>>, %arg2: memref<1024x64xf32, #tpu.memory_space<any>>, %arg3: memref<8x1x1152xi32, #tpu.memory_space<vmem>>, %arg4: memref<1x1xf32, #tpu.memory_space<vmem>>, %arg5: memref<2x1152x64xf32, #tpu.memory_space<vmem>>, %arg6: memref<1024x64xf32, #tpu.memory_space<vmem>>, %arg7: memref<2x!tpu.dma_semaphore, #tpu.memory_space<semaphore_mem>>, %arg8: memref<!tpu.dma_semaphore, #tpu.memory_space<semaphore_mem>>) attributes {dimension_semantics = [#tpu.dimension_semantics<arbitrary>], iteration_bounds = array<i64: 1>, scalar_prefetch = 0 : i64, scratch_operands = 4 : i64, tpu.core_type = #tpu.core_type<tc>, window_params = [{}, {}, {pipeline_mode = #tpu.pipeline_mode<synchronous>, transform_indices = @transform_2, window_bounds = array<i64: 8, 1, 1152>}, {pipeline_mode = #tpu.pipeline_mode<synchronous>, transform_indices = @transform_3, window_bounds = array<i64: 1, 1>}]} {
    tpu.enqueue_dma source(%arg2 : memref<1024x64xf32, #tpu.memory_space<any>>) target(%arg6 : memref<1024x64xf32, #tpu.memory_space<vmem>>) target_semaphore(%arg8 : memref<!tpu.dma_semaphore, #tpu.memory_space<semaphore_mem>>)
    %dma_start3A = arith.constant 0 : i32
    %dma_start3A_0 = arith.constant 0 : i32
    %dma_start3A_1 = tpu.memref_slice %arg7[%dma_start3A_0] : memref<2x!tpu.dma_semaphore, #tpu.memory_space<semaphore_mem>> -> memref<1x!tpu.dma_semaphore, #tpu.memory_space<semaphore_mem>>
    %dma_start3A_2 = tpu.memref_squeeze %dma_start3A_1 : memref<1x!tpu.dma_semaphore, #tpu.memory_space<semaphore_mem>> -> memref<!tpu.dma_semaphore, #tpu.memory_space<semaphore_mem>>
    %dma_start3A_3 = arith.constant 0 : i32
    %dma_start3A_4 = arith.constant 0 : i32
    %dma_start3A_5 = tpu.memref_slice %arg5[%dma_start3A, %dma_start3A_3, %dma_start3A_4] : memref<2x1152x64xf32, #tpu.memory_space<vmem>> -> memref<1x1152x64xf32, #tpu.memory_space<vmem>>
    %dma_start3A_6 = tpu.memref_squeeze %dma_start3A_5 : memref<1x1152x64xf32, #tpu.memory_space<vmem>> -> memref<1152x64xf32, #tpu.memory_space<vmem>>
    %dma_start3A_7 = arith.constant 0 : i32
    %dma_start3A_8 = arith.constant 0 : i32
    %dma_start3A_9 = tpu.memref_slice %arg1[%dma_start3A_7, %dma_start3A_8] : memref<9216x64xf32, #tpu.memory_space<any>> -> memref<1152x64xf32, #tpu.memory_space<any>>
    tpu.enqueue_dma source(%dma_start3A_9 : memref<1152x64xf32, #tpu.memory_space<any>>) target(%dma_start3A_6 : memref<1152x64xf32, #tpu.memory_space<vmem>>) target_semaphore(%dma_start3A_2 : memref<!tpu.dma_semaphore, #tpu.memory_space<semaphore_mem>>)
    tpu.wait_dma2 semaphore(%arg8 : memref<!tpu.dma_semaphore, #tpu.memory_space<semaphore_mem>>) src(%arg2 : memref<1024x64xf32, #tpu.memory_space<any>>) dst(%arg6 : memref<1024x64xf32, #tpu.memory_space<vmem>>)
    %get3A = arith.constant 0 : index
    %get3A_10 = arith.constant 0 : index
    %get3A_11 = vector.load %arg6[%get3A, %get3A_10] : memref<1024x64xf32, #tpu.memory_space<vmem>>, vector<1024x64xf32>
    %mul3A = arith.mulf %get3A_11, %get3A_11 : vector<1024x64xf32>
    %reduce_sum3A = arith.constant dense<0.000000e+00> : vector<1024xf32>
    %reduce_sum3A_12 = vector.multi_reduction <add>, %mul3A, %reduce_sum3A [1] : vector<1024x64xf32> to vector<1024xf32>
    %broadcast_in_dim3A = vector.shape_cast %reduce_sum3A_12 : vector<1024xf32> to vector<1024x1xf32>
    %iota3A = tpu.iota {dimensions = array<i32: 0>} : vector<1024x1152xi32>
    %dma_start3A_13 = arith.constant 1 : i32
    %dma_start3A_14 = arith.constant 1 : i32
    %dma_start3A_15 = tpu.memref_slice %arg7[%dma_start3A_14] : memref<2x!tpu.dma_semaphore, #tpu.memory_space<semaphore_mem>> -> memref<1x!tpu.dma_semaphore, #tpu.memory_space<semaphore_mem>>
    %dma_start3A_16 = tpu.memref_squeeze %dma_start3A_15 : memref<1x!tpu.dma_semaphore, #tpu.memory_space<semaphore_mem>> -> memref<!tpu.dma_semaphore, #tpu.memory_space<semaphore_mem>>
    %dma_start3A_17 = arith.constant 0 : i32
    %dma_start3A_18 = arith.constant 0 : i32
    %dma_start3A_19 = tpu.memref_slice %arg5[%dma_start3A_13, %dma_start3A_17, %dma_start3A_18] : memref<2x1152x64xf32, #tpu.memory_space<vmem>> -> memref<1x1152x64xf32, #tpu.memory_space<vmem>>
    %dma_start3A_20 = tpu.memref_squeeze %dma_start3A_19 : memref<1x1152x64xf32, #tpu.memory_space<vmem>> -> memref<1152x64xf32, #tpu.memory_space<vmem>>
    %dma_start3A_21 = arith.constant 1152 : i32
    %dma_start3A_22 = arith.constant 0 : i32
    %dma_start3A_23 = tpu.memref_slice %arg1[%dma_start3A_21, %dma_start3A_22] : memref<9216x64xf32, #tpu.memory_space<any>> -> memref<1152x64xf32, #tpu.memory_space<any>>
    tpu.enqueue_dma source(%dma_start3A_23 : memref<1152x64xf32, #tpu.memory_space<any>>) target(%dma_start3A_20 : memref<1152x64xf32, #tpu.memory_space<vmem>>) target_semaphore(%dma_start3A_16 : memref<!tpu.dma_semaphore, #tpu.memory_space<semaphore_mem>>)
    %dma_wait3A = arith.constant 0 : i32
    %dma_wait3A_24 = arith.constant 0 : i32
    %dma_wait3A_25 = tpu.memref_slice %arg7[%dma_wait3A_24] : memref<2x!tpu.dma_semaphore, #tpu.memory_space<semaphore_mem>> -> memref<1x!tpu.dma_semaphore, #tpu.memory_space<semaphore_mem>>
    %dma_wait3A_26 = tpu.memref_squeeze %dma_wait3A_25 : memref<1x!tpu.dma_semaphore, #tpu.memory_space<semaphore_mem>> -> memref<!tpu.dma_semaphore, #tpu.memory_space<semaphore_mem>>
    %dma_wait3A_27 = arith.constant 0 : i32
    %dma_wait3A_28 = arith.constant 0 : i32
    %dma_wait3A_29 = tpu.memref_slice %arg5[%dma_wait3A, %dma_wait3A_27, %dma_wait3A_28] : memref<2x1152x64xf32, #tpu.memory_space<vmem>> -> memref<1x1152x64xf32, #tpu.memory_space<vmem>>
    %dma_wait3A_30 = tpu.memref_squeeze %dma_wait3A_29 : memref<1x1152x64xf32, #tpu.memory_space<vmem>> -> memref<1152x64xf32, #tpu.memory_space<vmem>>
    %dma_wait3A_31 = arith.constant 0 : i32
    %dma_wait3A_32 = arith.constant 0 : i32
    %dma_wait3A_33 = tpu.memref_slice %arg1[%dma_wait3A_31, %dma_wait3A_32] : memref<9216x64xf32, #tpu.memory_space<any>> -> memref<1152x64xf32, #tpu.memory_space<any>>
    tpu.wait_dma2 semaphore(%dma_wait3A_26 : memref<!tpu.dma_semaphore, #tpu.memory_space<semaphore_mem>>) src(%dma_wait3A_33 : memref<1152x64xf32, #tpu.memory_space<any>>) dst(%dma_wait3A_30 : memref<1152x64xf32, #tpu.memory_space<vmem>>)
    %get3A_34 = arith.constant 0 : index
    %get3A_35 = arith.constant 0 : index
    %get3A_36 = arith.constant 0 : index
    %get3A_37 = vector.load %arg5[%get3A_34, %get3A_35, %get3A_36] : memref<2x1152x64xf32, #tpu.memory_space<vmem>>, vector<1x1152x64xf32>
    %get3A_38 = vector.shape_cast %get3A_37 : vector<1x1152x64xf32> to vector<1152x64xf32>
    %dot_general3A = arith.constant dense<0.000000e+00> : vector<1024x1152xf32>
    %dot_general3A_39 = tpu.matmul %get3A_11, %get3A_38, %dot_general3A {dimension_numbers = #tpu.dot_dimension_numbers<[1], [1], [0], [0], [0, 0, 1, 0], [], []>, transpose_lhs_hint = false} : vector<1024x64xf32>, vector<1152x64xf32>, vector<1024x1152xf32> -> vector<1024x1152xf32>
    %mul3A_40 = arith.mulf %get3A_38, %get3A_38 : vector<1152x64xf32>
    %reduce_sum3A_41 = arith.constant dense<0.000000e+00> : vector<1152xf32>
    %reduce_sum3A_42 = vector.multi_reduction <add>, %mul3A_40, %reduce_sum3A_41 [1] : vector<1152x64xf32> to vector<1152xf32>
    %broadcast_in_dim3A_43 = vector.shape_cast %reduce_sum3A_42 : vector<1152xf32> to vector<1152x1xf32>
    %transpose3A = tpu.transpose %broadcast_in_dim3A_43, [1, 0] : vector<1152x1xf32> -> vector<1x1152xf32>
    %add3A = vector.broadcast %transpose3A : vector<1x1152xf32> to vector<1024x1152xf32>
    %add3A_44 = vector.broadcast %broadcast_in_dim3A : vector<1024x1xf32> to vector<1024x1152xf32>
    %add3A_45 = arith.addf %add3A, %add3A_44 : vector<1024x1152xf32>
    %mul3A_46 = arith.constant 2.000000e+00 : f32
    %mul3A_47 = vector.broadcast %mul3A_46 : f32 to vector<1024x1152xf32>
    %mul3A_48 = arith.mulf %mul3A_47, %dot_general3A_39 : vector<1024x1152xf32>
    %sub3A = arith.subf %add3A_45, %mul3A_48 : vector<1024x1152xf32>
    %max3A = arith.constant 0.000000e+00 : f32
    %max3A_49 = vector.broadcast %max3A : f32 to vector<1024x1152xf32>
    %max3A_50 = arith.maximumf %sub3A, %max3A_49 : vector<1024x1152xf32>
    %reduce_min3A = arith.constant dense<0x7F800000> : vector<1152xf32>
    %reduce_min3A_51 = vector.multi_reduction <minimumf>, %max3A_50, %reduce_min3A [0] : vector<1024x1152xf32> to vector<1152xf32>
    %broadcast_in_dim3A_52 = vector.shape_cast %reduce_min3A_51 : vector<1152xf32> to vector<1x1152xf32>
    %eq3A = vector.broadcast %broadcast_in_dim3A_52 : vector<1x1152xf32> to vector<1024x1152xf32>
    %eq3A_53 = arith.cmpf oeq, %max3A_50, %eq3A : vector<1024x1152xf32>
    %jit3A = arith.constant 1024 : i32
    %broadcast_in_dim3A_54 = vector.broadcast %jit3A : i32 to vector<1024x1152xi32>
    %select_n3A = arith.select %eq3A_53, %iota3A, %broadcast_in_dim3A_54 : vector<1024x1152xi1>, vector<1024x1152xi32>
    %reduce_min3A_55 = arith.constant dense<2147483647> : vector<1152xi32>
    %reduce_min3A_56 = vector.multi_reduction <minsi>, %select_n3A, %reduce_min3A_55 [0] : vector<1024x1152xi32> to vector<1152xi32>
    %broadcast_in_dim3A_57 = vector.shape_cast %reduce_min3A_56 : vector<1152xi32> to vector<1x1152xi32>
    %reshape3A = vector.shape_cast %broadcast_in_dim3A_57 : vector<1x1152xi32> to vector<1x1x1152xi32>
    %swap3A = arith.constant 0 : index
    %swap3A_58 = arith.constant 0 : index
    %swap3A_59 = arith.constant 0 : index
    %swap3A_60 = vector.load %arg3[%swap3A, %swap3A_58, %swap3A_59] : memref<8x1x1152xi32, #tpu.memory_space<vmem>>, vector<1x1x1152xi32>
    tpu.vector_store %arg3[%swap3A, %swap3A_58, %swap3A_59], %reshape3A {strides = array<i32>} : memref<8x1x1152xi32, #tpu.memory_space<vmem>>, vector<1x1x1152xi32>,
    %jit3A_61 = arith.constant 0x7F800000 : f32
    %broadcast_in_dim3A_62 = vector.broadcast %jit3A_61 : f32 to vector<1024x1152xf32>
    %select_n3A_63 = arith.select %eq3A_53, %broadcast_in_dim3A_62, %max3A_50 : vector<1024x1152xi1>, vector<1024x1152xf32>
    %reduce_min3A_64 = arith.constant dense<0x7F800000> : vector<1152xf32>
    %reduce_min3A_65 = vector.multi_reduction <minimumf>, %select_n3A_63, %reduce_min3A_64 [0] : vector<1024x1152xf32> to vector<1152xf32>
    %broadcast_in_dim3A_66 = vector.shape_cast %reduce_min3A_65 : vector<1152xf32> to vector<1x1152xf32>
    %mul3A_67 = arith.constant 1.00000095 : f32
    %mul3A_68 = vector.broadcast %mul3A_67 : f32 to vector<1x1152xf32>
    %mul3A_69 = arith.mulf %broadcast_in_dim3A_52, %mul3A_68 : vector<1x1152xf32>
    %le3A = arith.cmpf ole, %broadcast_in_dim3A_66, %mul3A_69 : vector<1x1152xf32>
    %reduce_or3A = arith.constant 1.000000e+00 : f32
    %reduce_or3A_70 = arith.constant 0.000000e+00 : f32
    %reduce_or3A_71 = vector.broadcast %reduce_or3A : f32 to vector<1x1152xf32>
    %reduce_or3A_72 = vector.broadcast %reduce_or3A_70 : f32 to vector<1x1152xf32>
    %reduce_or3A_73 = arith.select %le3A, %reduce_or3A_71, %reduce_or3A_72 : vector<1x1152xi1>, vector<1x1152xf32>
    %reduce_or3A_74 = vector.shape_cast %reduce_or3A_73 : vector<1x1152xf32> to vector<1x1x1152xf32>
    %reduce_or3A_75 = arith.constant dense<0xFF800000> : vector<1xf32>
    %reduce_or3A_76 = vector.multi_reduction <maximumf>, %reduce_or3A_74, %reduce_or3A_75 [1, 2] : vector<1x1x1152xf32> to vector<1xf32>
    %reduce_or3A_77 = vector.shape_cast %reduce_or3A_76 : vector<1xf32> to vector<1x1x1xf32>
    %reduce_or3A_78 = vector.extract %reduce_or3A_77[0, 0, 0] : f32 from vector<1x1x1xf32>
    %reduce_or3A_79 = arith.constant 0.000000e+00 : f32
    %reduce_or3A_80 = arith.cmpf ogt, %reduce_or3A_78, %reduce_or3A_79 : f32
    %convert_element_type3A = arith.extui %reduce_or3A_80 : i1 to i32
    %cond3A = arith.constant 0 : i32
    %cond3A_81 = arith.cmpi ne, %convert_element_type3A, %cond3A : i32
    scf.if %cond3A_81 {
      %sqrt3A = math.sqrt %max3A_50 : vector<1024x1152xf32>
      %reduce_min3A_721 = arith.constant dense<0x7F800000> : vector<1152xf32>
      %reduce_min3A_722 = vector.multi_reduction <minimumf>, %sqrt3A, %reduce_min3A_721 [0] : vector<1024x1152xf32> to vector<1152xf32>
      %broadcast_in_dim3A_723 = vector.shape_cast %reduce_min3A_722 : vector<1152xf32> to vector<1x1152xf32>
      %eq3A_724 = vector.broadcast %broadcast_in_dim3A_723 : vector<1x1152xf32> to vector<1024x1152xf32>
      %eq3A_725 = arith.cmpf oeq, %sqrt3A, %eq3A_724 : vector<1024x1152xf32>
      %jit3A_726 = arith.constant 1024 : i32
      %broadcast_in_dim3A_727 = vector.broadcast %jit3A_726 : i32 to vector<1024x1152xi32>
      %select_n3A_728 = arith.select %eq3A_725, %iota3A, %broadcast_in_dim3A_727 : vector<1024x1152xi1>, vector<1024x1152xi32>
      %reduce_min3A_729 = arith.constant dense<2147483647> : vector<1152xi32>
      %reduce_min3A_730 = vector.multi_reduction <minsi>, %select_n3A_728, %reduce_min3A_729 [0] : vector<1024x1152xi32> to vector<1152xi32>
      %broadcast_in_dim3A_731 = vector.shape_cast %reduce_min3A_730 : vector<1152xi32> to vector<1x1152xi32>
      %reshape3A_732 = vector.shape_cast %broadcast_in_dim3A_731 : vector<1x1152xi32> to vector<1x1x1152xi32>
      %swap3A_733 = arith.constant 0 : index
      %swap3A_734 = arith.constant 0 : index
      %swap3A_735 = arith.constant 0 : index
      %swap3A_736 = vector.load %arg3[%swap3A_733, %swap3A_734, %swap3A_735] : memref<8x1x1152xi32, #tpu.memory_space<vmem>>, vector<1x1x1152xi32>
      tpu.vector_store %arg3[%swap3A_733, %swap3A_734, %swap3A_735], %reshape3A_732 {strides = array<i32>} : memref<8x1x1152xi32, #tpu.memory_space<vmem>>, vector<1x1x1152xi32>,
    } else {
    }
    %reduce_sum3A_82 = vector.shape_cast %broadcast_in_dim3A_52 : vector<1x1152xf32> to vector<1x1x1152xf32>
    %reduce_sum3A_83 = arith.constant dense<0.000000e+00> : vector<1xf32>
    %reduce_sum3A_84 = vector.multi_reduction <add>, %reduce_sum3A_82, %reduce_sum3A_83 [1, 2] : vector<1x1x1152xf32> to vector<1xf32>
    %reduce_sum3A_85 = vector.shape_cast %reduce_sum3A_84 : vector<1xf32> to vector<1x1x1xf32>
    %reduce_sum3A_86 = vector.extract %reduce_sum3A_85[0, 0, 0] : f32 from vector<1x1x1xf32>
    %add3A_87 = arith.constant 0.000000e+00 : f32
    %add3A_88 = arith.addf %add3A_87, %reduce_sum3A_86 : f32
    %dma_start3A_89 = arith.constant 0 : i32
    %dma_start3A_90 = arith.constant 0 : i32
    %dma_start3A_91 = tpu.memref_slice %arg7[%dma_start3A_90] : memref<2x!tpu.dma_semaphore, #tpu.memory_space<semaphore_mem>> -> memref<1x!tpu.dma_semaphore, #tpu.memory_space<semaphore_mem>>
    %dma_start3A_92 = tpu.memref_squeeze %dma_start3A_91 : memref<1x!tpu.dma_semaphore, #tpu.memory_space<semaphore_mem>> -> memref<!tpu.dma_semaphore, #tpu.memory_space<semaphore_mem>>
    %dma_start3A_93 = arith.constant 0 : i32
    %dma_start3A_94 = arith.constant 0 : i32
    %dma_start3A_95 = tpu.memref_slice %arg5[%dma_start3A_89, %dma_start3A_93, %dma_start3A_94] : memref<2x1152x64xf32, #tpu.memory_space<vmem>> -> memref<1x1152x64xf32, #tpu.memory_space<vmem>>
    %dma_start3A_96 = tpu.memref_squeeze %dma_start3A_95 : memref<1x1152x64xf32, #tpu.memory_space<vmem>> -> memref<1152x64xf32, #tpu.memory_space<vmem>>
    %dma_start3A_97 = arith.constant 2304 : i32
    %dma_start3A_98 = arith.constant 0 : i32
    %dma_start3A_99 = tpu.memref_slice %arg1[%dma_start3A_97, %dma_start3A_98] : memref<9216x64xf32, #tpu.memory_space<any>> -> memref<1152x64xf32, #tpu.memory_space<any>>
    tpu.enqueue_dma source(%dma_start3A_99 : memref<1152x64xf32, #tpu.memory_space<any>>) target(%dma_start3A_96 : memref<1152x64xf32, #tpu.memory_space<vmem>>) target_semaphore(%dma_start3A_92 : memref<!tpu.dma_semaphore, #tpu.memory_space<semaphore_mem>>)
    %dma_wait3A_100 = arith.constant 1 : i32
    %dma_wait3A_101 = arith.constant 1 : i32
    %dma_wait3A_102 = tpu.memref_slice %arg7[%dma_wait3A_101] : memref<2x!tpu.dma_semaphore, #tpu.memory_space<semaphore_mem>> -> memref<1x!tpu.dma_semaphore, #tpu.memory_space<semaphore_mem>>
    %dma_wait3A_103 = tpu.memref_squeeze %dma_wait3A_102 : memref<1x!tpu.dma_semaphore, #tpu.memory_space<semaphore_mem>> -> memref<!tpu.dma_semaphore, #tpu.memory_space<semaphore_mem>>
    %dma_wait3A_104 = arith.constant 0 : i32
    %dma_wait3A_105 = arith.constant 0 : i32
    %dma_wait3A_106 = tpu.memref_slice %arg5[%dma_wait3A_100, %dma_wait3A_104, %dma_wait3A_105] : memref<2x1152x64xf32, #tpu.memory_space<vmem>> -> memref<1x1152x64xf32, #tpu.memory_space<vmem>>
    %dma_wait3A_107 = tpu.memref_squeeze %dma_wait3A_106 : memref<1x1152x64xf32, #tpu.memory_space<vmem>> -> memref<1152x64xf32, #tpu.memory_space<vmem>>
    %dma_wait3A_108 = arith.constant 1152 : i32
    %dma_wait3A_109 = arith.constant 0 : i32
    %dma_wait3A_110 = tpu.memref_slice %arg1[%dma_wait3A_108, %dma_wait3A_109] : memref<9216x64xf32, #tpu.memory_space<any>> -> memref<1152x64xf32, #tpu.memory_space<any>>
    tpu.wait_dma2 semaphore(%dma_wait3A_103 : memref<!tpu.dma_semaphore, #tpu.memory_space<semaphore_mem>>) src(%dma_wait3A_110 : memref<1152x64xf32, #tpu.memory_space<any>>) dst(%dma_wait3A_107 : memref<1152x64xf32, #tpu.memory_space<vmem>>)
    %get3A_111 = arith.constant 1 : index
    %get3A_112 = arith.constant 0 : index
    %get3A_113 = arith.constant 0 : index
    %get3A_114 = vector.load %arg5[%get3A_111, %get3A_112, %get3A_113] : memref<2x1152x64xf32, #tpu.memory_space<vmem>>, vector<1x1152x64xf32>
    %get3A_115 = vector.shape_cast %get3A_114 : vector<1x1152x64xf32> to vector<1152x64xf32>
    %dot_general3A_116 = arith.constant dense<0.000000e+00> : vector<1024x1152xf32>
    %dot_general3A_117 = tpu.matmul %get3A_11, %get3A_115, %dot_general3A_116 {dimension_numbers = #tpu.dot_dimension_numbers<[1], [1], [0], [0], [0, 0, 1, 0], [], []>, transpose_lhs_hint = false} : vector<1024x64xf32>, vector<1152x64xf32>, vector<1024x1152xf32> -> vector<1024x1152xf32>
    %mul3A_118 = arith.mulf %get3A_115, %get3A_115 : vector<1152x64xf32>
    %reduce_sum3A_119 = arith.constant dense<0.000000e+00> : vector<1152xf32>
    %reduce_sum3A_120 = vector.multi_reduction <add>, %mul3A_118, %reduce_sum3A_119 [1] : vector<1152x64xf32> to vector<1152xf32>
    %broadcast_in_dim3A_121 = vector.shape_cast %reduce_sum3A_120 : vector<1152xf32> to vector<1152x1xf32>
    %transpose3A_122 = tpu.transpose %broadcast_in_dim3A_121, [1, 0] : vector<1152x1xf32> -> vector<1x1152xf32>
    %add3A_123 = vector.broadcast %transpose3A_122 : vector<1x1152xf32> to vector<1024x1152xf32>
    %add3A_124 = vector.broadcast %broadcast_in_dim3A : vector<1024x1xf32> to vector<1024x1152xf32>
    %add3A_125 = arith.addf %add3A_123, %add3A_124 : vector<1024x1152xf32>
    %mul3A_126 = arith.constant 2.000000e+00 : f32
    %mul3A_127 = vector.broadcast %mul3A_126 : f32 to vector<1024x1152xf32>
    %mul3A_128 = arith.mulf %mul3A_127, %dot_general3A_117 : vector<1024x1152xf32>
    %sub3A_129 = arith.subf %add3A_125, %mul3A_128 : vector<1024x1152xf32>
    %max3A_130 = arith.constant 0.000000e+00 : f32
    %max3A_131 = vector.broadcast %max3A_130 : f32 to vector<1024x1152xf32>
    %max3A_132 = arith.maximumf %sub3A_129, %max3A_131 : vector<1024x1152xf32>
    %reduce_min3A_133 = arith.constant dense<0x7F800000> : vector<1152xf32>
    %reduce_min3A_134 = vector.multi_reduction <minimumf>, %max3A_132, %reduce_min3A_133 [0] : vector<1024x1152xf32> to vector<1152xf32>
    %broadcast_in_dim3A_135 = vector.shape_cast %reduce_min3A_134 : vector<1152xf32> to vector<1x1152xf32>
    %eq3A_136 = vector.broadcast %broadcast_in_dim3A_135 : vector<1x1152xf32> to vector<1024x1152xf32>
    %eq3A_137 = arith.cmpf oeq, %max3A_132, %eq3A_136 : vector<1024x1152xf32>
    %jit3A_138 = arith.constant 1024 : i32
    %broadcast_in_dim3A_139 = vector.broadcast %jit3A_138 : i32 to vector<1024x1152xi32>
    %select_n3A_140 = arith.select %eq3A_137, %iota3A, %broadcast_in_dim3A_139 : vector<1024x1152xi1>, vector<1024x1152xi32>
    %reduce_min3A_141 = arith.constant dense<2147483647> : vector<1152xi32>
    %reduce_min3A_142 = vector.multi_reduction <minsi>, %select_n3A_140, %reduce_min3A_141 [0] : vector<1024x1152xi32> to vector<1152xi32>
    %broadcast_in_dim3A_143 = vector.shape_cast %reduce_min3A_142 : vector<1152xi32> to vector<1x1152xi32>
    %reshape3A_144 = vector.shape_cast %broadcast_in_dim3A_143 : vector<1x1152xi32> to vector<1x1x1152xi32>
    %swap3A_145 = arith.constant 1 : index
    %swap3A_146 = arith.constant 0 : index
    %swap3A_147 = arith.constant 0 : index
    %swap3A_148 = vector.load %arg3[%swap3A_145, %swap3A_146, %swap3A_147] : memref<8x1x1152xi32, #tpu.memory_space<vmem>>, vector<1x1x1152xi32>
    tpu.vector_store %arg3[%swap3A_145, %swap3A_146, %swap3A_147], %reshape3A_144 {strides = array<i32>} : memref<8x1x1152xi32, #tpu.memory_space<vmem>>, vector<1x1x1152xi32>,
    %jit3A_149 = arith.constant 0x7F800000 : f32
    %broadcast_in_dim3A_150 = vector.broadcast %jit3A_149 : f32 to vector<1024x1152xf32>
    %select_n3A_151 = arith.select %eq3A_137, %broadcast_in_dim3A_150, %max3A_132 : vector<1024x1152xi1>, vector<1024x1152xf32>
    %reduce_min3A_152 = arith.constant dense<0x7F800000> : vector<1152xf32>
    %reduce_min3A_153 = vector.multi_reduction <minimumf>, %select_n3A_151, %reduce_min3A_152 [0] : vector<1024x1152xf32> to vector<1152xf32>
    %broadcast_in_dim3A_154 = vector.shape_cast %reduce_min3A_153 : vector<1152xf32> to vector<1x1152xf32>
    %mul3A_155 = arith.constant 1.00000095 : f32
    %mul3A_156 = vector.broadcast %mul3A_155 : f32 to vector<1x1152xf32>
    %mul3A_157 = arith.mulf %broadcast_in_dim3A_135, %mul3A_156 : vector<1x1152xf32>
    %le3A_158 = arith.cmpf ole, %broadcast_in_dim3A_154, %mul3A_157 : vector<1x1152xf32>
    %reduce_or3A_159 = arith.constant 1.000000e+00 : f32
    %reduce_or3A_160 = arith.constant 0.000000e+00 : f32
    %reduce_or3A_161 = vector.broadcast %reduce_or3A_159 : f32 to vector<1x1152xf32>
    %reduce_or3A_162 = vector.broadcast %reduce_or3A_160 : f32 to vector<1x1152xf32>
    %reduce_or3A_163 = arith.select %le3A_158, %reduce_or3A_161, %reduce_or3A_162 : vector<1x1152xi1>, vector<1x1152xf32>
    %reduce_or3A_164 = vector.shape_cast %reduce_or3A_163 : vector<1x1152xf32> to vector<1x1x1152xf32>
    %reduce_or3A_165 = arith.constant dense<0xFF800000> : vector<1xf32>
    %reduce_or3A_166 = vector.multi_reduction <maximumf>, %reduce_or3A_164, %reduce_or3A_165 [1, 2] : vector<1x1x1152xf32> to vector<1xf32>
    %reduce_or3A_167 = vector.shape_cast %reduce_or3A_166 : vector<1xf32> to vector<1x1x1xf32>
    %reduce_or3A_168 = vector.extract %reduce_or3A_167[0, 0, 0] : f32 from vector<1x1x1xf32>
    %reduce_or3A_169 = arith.constant 0.000000e+00 : f32
    %reduce_or3A_170 = arith.cmpf ogt, %reduce_or3A_168, %reduce_or3A_169 : f32
    %convert_element_type3A_171 = arith.extui %reduce_or3A_170 : i1 to i32
    %cond3A_172 = arith.constant 0 : i32
    %cond3A_173 = arith.cmpi ne, %convert_element_type3A_171, %cond3A_172 : i32
    scf.if %cond3A_173 {
      %sqrt3A = math.sqrt %max3A_132 : vector<1024x1152xf32>
      %reduce_min3A_721 = arith.constant dense<0x7F800000> : vector<1152xf32>
      %reduce_min3A_722 = vector.multi_reduction <minimumf>, %sqrt3A, %reduce_min3A_721 [0] : vector<1024x1152xf32> to vector<1152xf32>
      %broadcast_in_dim3A_723 = vector.shape_cast %reduce_min3A_722 : vector<1152xf32> to vector<1x1152xf32>
      %eq3A_724 = vector.broadcast %broadcast_in_dim3A_723 : vector<1x1152xf32> to vector<1024x1152xf32>
      %eq3A_725 = arith.cmpf oeq, %sqrt3A, %eq3A_724 : vector<1024x1152xf32>
      %jit3A_726 = arith.constant 1024 : i32
      %broadcast_in_dim3A_727 = vector.broadcast %jit3A_726 : i32 to vector<1024x1152xi32>
      %select_n3A_728 = arith.select %eq3A_725, %iota3A, %broadcast_in_dim3A_727 : vector<1024x1152xi1>, vector<1024x1152xi32>
      %reduce_min3A_729 = arith.constant dense<2147483647> : vector<1152xi32>
      %reduce_min3A_730 = vector.multi_reduction <minsi>, %select_n3A_728, %reduce_min3A_729 [0] : vector<1024x1152xi32> to vector<1152xi32>
      %broadcast_in_dim3A_731 = vector.shape_cast %reduce_min3A_730 : vector<1152xi32> to vector<1x1152xi32>
      %reshape3A_732 = vector.shape_cast %broadcast_in_dim3A_731 : vector<1x1152xi32> to vector<1x1x1152xi32>
      %swap3A_733 = arith.constant 1 : index
      %swap3A_734 = arith.constant 0 : index
      %swap3A_735 = arith.constant 0 : index
      %swap3A_736 = vector.load %arg3[%swap3A_733, %swap3A_734, %swap3A_735] : memref<8x1x1152xi32, #tpu.memory_space<vmem>>, vector<1x1x1152xi32>
      tpu.vector_store %arg3[%swap3A_733, %swap3A_734, %swap3A_735], %reshape3A_732 {strides = array<i32>} : memref<8x1x1152xi32, #tpu.memory_space<vmem>>, vector<1x1x1152xi32>,
    } else {
    }
    %reduce_sum3A_174 = vector.shape_cast %broadcast_in_dim3A_135 : vector<1x1152xf32> to vector<1x1x1152xf32>
    %reduce_sum3A_175 = arith.constant dense<0.000000e+00> : vector<1xf32>
    %reduce_sum3A_176 = vector.multi_reduction <add>, %reduce_sum3A_174, %reduce_sum3A_175 [1, 2] : vector<1x1x1152xf32> to vector<1xf32>
    %reduce_sum3A_177 = vector.shape_cast %reduce_sum3A_176 : vector<1xf32> to vector<1x1x1xf32>
    %reduce_sum3A_178 = vector.extract %reduce_sum3A_177[0, 0, 0] : f32 from vector<1x1x1xf32>
    %add3A_179 = arith.addf %add3A_88, %reduce_sum3A_178 : f32
    %dma_start3A_180 = arith.constant 1 : i32
    %dma_start3A_181 = arith.constant 1 : i32
    %dma_start3A_182 = tpu.memref_slice %arg7[%dma_start3A_181] : memref<2x!tpu.dma_semaphore, #tpu.memory_space<semaphore_mem>> -> memref<1x!tpu.dma_semaphore, #tpu.memory_space<semaphore_mem>>
    %dma_start3A_183 = tpu.memref_squeeze %dma_start3A_182 : memref<1x!tpu.dma_semaphore, #tpu.memory_space<semaphore_mem>> -> memref<!tpu.dma_semaphore, #tpu.memory_space<semaphore_mem>>
    %dma_start3A_184 = arith.constant 0 : i32
    %dma_start3A_185 = arith.constant 0 : i32
    %dma_start3A_186 = tpu.memref_slice %arg5[%dma_start3A_180, %dma_start3A_184, %dma_start3A_185] : memref<2x1152x64xf32, #tpu.memory_space<vmem>> -> memref<1x1152x64xf32, #tpu.memory_space<vmem>>
    %dma_start3A_187 = tpu.memref_squeeze %dma_start3A_186 : memref<1x1152x64xf32, #tpu.memory_space<vmem>> -> memref<1152x64xf32, #tpu.memory_space<vmem>>
    %dma_start3A_188 = arith.constant 3456 : i32
    %dma_start3A_189 = arith.constant 0 : i32
    %dma_start3A_190 = tpu.memref_slice %arg1[%dma_start3A_188, %dma_start3A_189] : memref<9216x64xf32, #tpu.memory_space<any>> -> memref<1152x64xf32, #tpu.memory_space<any>>
    tpu.enqueue_dma source(%dma_start3A_190 : memref<1152x64xf32, #tpu.memory_space<any>>) target(%dma_start3A_187 : memref<1152x64xf32, #tpu.memory_space<vmem>>) target_semaphore(%dma_start3A_183 : memref<!tpu.dma_semaphore, #tpu.memory_space<semaphore_mem>>)
    %dma_wait3A_191 = arith.constant 0 : i32
    %dma_wait3A_192 = arith.constant 0 : i32
    %dma_wait3A_193 = tpu.memref_slice %arg7[%dma_wait3A_192] : memref<2x!tpu.dma_semaphore, #tpu.memory_space<semaphore_mem>> -> memref<1x!tpu.dma_semaphore, #tpu.memory_space<semaphore_mem>>
    %dma_wait3A_194 = tpu.memref_squeeze %dma_wait3A_193 : memref<1x!tpu.dma_semaphore, #tpu.memory_space<semaphore_mem>> -> memref<!tpu.dma_semaphore, #tpu.memory_space<semaphore_mem>>
    %dma_wait3A_195 = arith.constant 0 : i32
    %dma_wait3A_196 = arith.constant 0 : i32
    %dma_wait3A_197 = tpu.memref_slice %arg5[%dma_wait3A_191, %dma_wait3A_195, %dma_wait3A_196] : memref<2x1152x64xf32, #tpu.memory_space<vmem>> -> memref<1x1152x64xf32, #tpu.memory_space<vmem>>
    %dma_wait3A_198 = tpu.memref_squeeze %dma_wait3A_197 : memref<1x1152x64xf32, #tpu.memory_space<vmem>> -> memref<1152x64xf32, #tpu.memory_space<vmem>>
    %dma_wait3A_199 = arith.constant 2304 : i32
    %dma_wait3A_200 = arith.constant 0 : i32
    %dma_wait3A_201 = tpu.memref_slice %arg1[%dma_wait3A_199, %dma_wait3A_200] : memref<9216x64xf32, #tpu.memory_space<any>> -> memref<1152x64xf32, #tpu.memory_space<any>>
    tpu.wait_dma2 semaphore(%dma_wait3A_194 : memref<!tpu.dma_semaphore, #tpu.memory_space<semaphore_mem>>) src(%dma_wait3A_201 : memref<1152x64xf32, #tpu.memory_space<any>>) dst(%dma_wait3A_198 : memref<1152x64xf32, #tpu.memory_space<vmem>>)
    %get3A_202 = arith.constant 0 : index
    %get3A_203 = arith.constant 0 : index
    %get3A_204 = arith.constant 0 : index
    %get3A_205 = vector.load %arg5[%get3A_202, %get3A_203, %get3A_204] : memref<2x1152x64xf32, #tpu.memory_space<vmem>>, vector<1x1152x64xf32>
    %get3A_206 = vector.shape_cast %get3A_205 : vector<1x1152x64xf32> to vector<1152x64xf32>
    %dot_general3A_207 = arith.constant dense<0.000000e+00> : vector<1024x1152xf32>
    %dot_general3A_208 = tpu.matmul %get3A_11, %get3A_206, %dot_general3A_207 {dimension_numbers = #tpu.dot_dimension_numbers<[1], [1], [0], [0], [0, 0, 1, 0], [], []>, transpose_lhs_hint = false} : vector<1024x64xf32>, vector<1152x64xf32>, vector<1024x1152xf32> -> vector<1024x1152xf32>
    %mul3A_209 = arith.mulf %get3A_206, %get3A_206 : vector<1152x64xf32>
    %reduce_sum3A_210 = arith.constant dense<0.000000e+00> : vector<1152xf32>
    %reduce_sum3A_211 = vector.multi_reduction <add>, %mul3A_209, %reduce_sum3A_210 [1] : vector<1152x64xf32> to vector<1152xf32>
    %broadcast_in_dim3A_212 = vector.shape_cast %reduce_sum3A_211 : vector<1152xf32> to vector<1152x1xf32>
    %transpose3A_213 = tpu.transpose %broadcast_in_dim3A_212, [1, 0] : vector<1152x1xf32> -> vector<1x1152xf32>
    %add3A_214 = vector.broadcast %transpose3A_213 : vector<1x1152xf32> to vector<1024x1152xf32>
    %add3A_215 = vector.broadcast %broadcast_in_dim3A : vector<1024x1xf32> to vector<1024x1152xf32>
    %add3A_216 = arith.addf %add3A_214, %add3A_215 : vector<1024x1152xf32>
    %mul3A_217 = arith.constant 2.000000e+00 : f32
    %mul3A_218 = vector.broadcast %mul3A_217 : f32 to vector<1024x1152xf32>
    %mul3A_219 = arith.mulf %mul3A_218, %dot_general3A_208 : vector<1024x1152xf32>
    %sub3A_220 = arith.subf %add3A_216, %mul3A_219 : vector<1024x1152xf32>
    %max3A_221 = arith.constant 0.000000e+00 : f32
    %max3A_222 = vector.broadcast %max3A_221 : f32 to vector<1024x1152xf32>
    %max3A_223 = arith.maximumf %sub3A_220, %max3A_222 : vector<1024x1152xf32>
    %reduce_min3A_224 = arith.constant dense<0x7F800000> : vector<1152xf32>
    %reduce_min3A_225 = vector.multi_reduction <minimumf>, %max3A_223, %reduce_min3A_224 [0] : vector<1024x1152xf32> to vector<1152xf32>
    %broadcast_in_dim3A_226 = vector.shape_cast %reduce_min3A_225 : vector<1152xf32> to vector<1x1152xf32>
    %eq3A_227 = vector.broadcast %broadcast_in_dim3A_226 : vector<1x1152xf32> to vector<1024x1152xf32>
    %eq3A_228 = arith.cmpf oeq, %max3A_223, %eq3A_227 : vector<1024x1152xf32>
    %jit3A_229 = arith.constant 1024 : i32
    %broadcast_in_dim3A_230 = vector.broadcast %jit3A_229 : i32 to vector<1024x1152xi32>
    %select_n3A_231 = arith.select %eq3A_228, %iota3A, %broadcast_in_dim3A_230 : vector<1024x1152xi1>, vector<1024x1152xi32>
    %reduce_min3A_232 = arith.constant dense<2147483647> : vector<1152xi32>
    %reduce_min3A_233 = vector.multi_reduction <minsi>, %select_n3A_231, %reduce_min3A_232 [0] : vector<1024x1152xi32> to vector<1152xi32>
    %broadcast_in_dim3A_234 = vector.shape_cast %reduce_min3A_233 : vector<1152xi32> to vector<1x1152xi32>
    %reshape3A_235 = vector.shape_cast %broadcast_in_dim3A_234 : vector<1x1152xi32> to vector<1x1x1152xi32>
    %swap3A_236 = arith.constant 2 : index
    %swap3A_237 = arith.constant 0 : index
    %swap3A_238 = arith.constant 0 : index
    %swap3A_239 = vector.load %arg3[%swap3A_236, %swap3A_237, %swap3A_238] : memref<8x1x1152xi32, #tpu.memory_space<vmem>>, vector<1x1x1152xi32>
    tpu.vector_store %arg3[%swap3A_236, %swap3A_237, %swap3A_238], %reshape3A_235 {strides = array<i32>} : memref<8x1x1152xi32, #tpu.memory_space<vmem>>, vector<1x1x1152xi32>,
    %jit3A_240 = arith.constant 0x7F800000 : f32
    %broadcast_in_dim3A_241 = vector.broadcast %jit3A_240 : f32 to vector<1024x1152xf32>
    %select_n3A_242 = arith.select %eq3A_228, %broadcast_in_dim3A_241, %max3A_223 : vector<1024x1152xi1>, vector<1024x1152xf32>
    %reduce_min3A_243 = arith.constant dense<0x7F800000> : vector<1152xf32>
    %reduce_min3A_244 = vector.multi_reduction <minimumf>, %select_n3A_242, %reduce_min3A_243 [0] : vector<1024x1152xf32> to vector<1152xf32>
    %broadcast_in_dim3A_245 = vector.shape_cast %reduce_min3A_244 : vector<1152xf32> to vector<1x1152xf32>
    %mul3A_246 = arith.constant 1.00000095 : f32
    %mul3A_247 = vector.broadcast %mul3A_246 : f32 to vector<1x1152xf32>
    %mul3A_248 = arith.mulf %broadcast_in_dim3A_226, %mul3A_247 : vector<1x1152xf32>
    %le3A_249 = arith.cmpf ole, %broadcast_in_dim3A_245, %mul3A_248 : vector<1x1152xf32>
    %reduce_or3A_250 = arith.constant 1.000000e+00 : f32
    %reduce_or3A_251 = arith.constant 0.000000e+00 : f32
    %reduce_or3A_252 = vector.broadcast %reduce_or3A_250 : f32 to vector<1x1152xf32>
    %reduce_or3A_253 = vector.broadcast %reduce_or3A_251 : f32 to vector<1x1152xf32>
    %reduce_or3A_254 = arith.select %le3A_249, %reduce_or3A_252, %reduce_or3A_253 : vector<1x1152xi1>, vector<1x1152xf32>
    %reduce_or3A_255 = vector.shape_cast %reduce_or3A_254 : vector<1x1152xf32> to vector<1x1x1152xf32>
    %reduce_or3A_256 = arith.constant dense<0xFF800000> : vector<1xf32>
    %reduce_or3A_257 = vector.multi_reduction <maximumf>, %reduce_or3A_255, %reduce_or3A_256 [1, 2] : vector<1x1x1152xf32> to vector<1xf32>
    %reduce_or3A_258 = vector.shape_cast %reduce_or3A_257 : vector<1xf32> to vector<1x1x1xf32>
    %reduce_or3A_259 = vector.extract %reduce_or3A_258[0, 0, 0] : f32 from vector<1x1x1xf32>
    %reduce_or3A_260 = arith.constant 0.000000e+00 : f32
    %reduce_or3A_261 = arith.cmpf ogt, %reduce_or3A_259, %reduce_or3A_260 : f32
    %convert_element_type3A_262 = arith.extui %reduce_or3A_261 : i1 to i32
    %cond3A_263 = arith.constant 0 : i32
    %cond3A_264 = arith.cmpi ne, %convert_element_type3A_262, %cond3A_263 : i32
    scf.if %cond3A_264 {
      %sqrt3A = math.sqrt %max3A_223 : vector<1024x1152xf32>
      %reduce_min3A_721 = arith.constant dense<0x7F800000> : vector<1152xf32>
      %reduce_min3A_722 = vector.multi_reduction <minimumf>, %sqrt3A, %reduce_min3A_721 [0] : vector<1024x1152xf32> to vector<1152xf32>
      %broadcast_in_dim3A_723 = vector.shape_cast %reduce_min3A_722 : vector<1152xf32> to vector<1x1152xf32>
      %eq3A_724 = vector.broadcast %broadcast_in_dim3A_723 : vector<1x1152xf32> to vector<1024x1152xf32>
      %eq3A_725 = arith.cmpf oeq, %sqrt3A, %eq3A_724 : vector<1024x1152xf32>
      %jit3A_726 = arith.constant 1024 : i32
      %broadcast_in_dim3A_727 = vector.broadcast %jit3A_726 : i32 to vector<1024x1152xi32>
      %select_n3A_728 = arith.select %eq3A_725, %iota3A, %broadcast_in_dim3A_727 : vector<1024x1152xi1>, vector<1024x1152xi32>
      %reduce_min3A_729 = arith.constant dense<2147483647> : vector<1152xi32>
      %reduce_min3A_730 = vector.multi_reduction <minsi>, %select_n3A_728, %reduce_min3A_729 [0] : vector<1024x1152xi32> to vector<1152xi32>
      %broadcast_in_dim3A_731 = vector.shape_cast %reduce_min3A_730 : vector<1152xi32> to vector<1x1152xi32>
      %reshape3A_732 = vector.shape_cast %broadcast_in_dim3A_731 : vector<1x1152xi32> to vector<1x1x1152xi32>
      %swap3A_733 = arith.constant 2 : index
      %swap3A_734 = arith.constant 0 : index
      %swap3A_735 = arith.constant 0 : index
      %swap3A_736 = vector.load %arg3[%swap3A_733, %swap3A_734, %swap3A_735] : memref<8x1x1152xi32, #tpu.memory_space<vmem>>, vector<1x1x1152xi32>
      tpu.vector_store %arg3[%swap3A_733, %swap3A_734, %swap3A_735], %reshape3A_732 {strides = array<i32>} : memref<8x1x1152xi32, #tpu.memory_space<vmem>>, vector<1x1x1152xi32>,
    } else {
    }
    %reduce_sum3A_265 = vector.shape_cast %broadcast_in_dim3A_226 : vector<1x1152xf32> to vector<1x1x1152xf32>
    %reduce_sum3A_266 = arith.constant dense<0.000000e+00> : vector<1xf32>
    %reduce_sum3A_267 = vector.multi_reduction <add>, %reduce_sum3A_265, %reduce_sum3A_266 [1, 2] : vector<1x1x1152xf32> to vector<1xf32>
    %reduce_sum3A_268 = vector.shape_cast %reduce_sum3A_267 : vector<1xf32> to vector<1x1x1xf32>
    %reduce_sum3A_269 = vector.extract %reduce_sum3A_268[0, 0, 0] : f32 from vector<1x1x1xf32>
    %add3A_270 = arith.addf %add3A_179, %reduce_sum3A_269 : f32
    %dma_start3A_271 = arith.constant 0 : i32
    %dma_start3A_272 = arith.constant 0 : i32
    %dma_start3A_273 = tpu.memref_slice %arg7[%dma_start3A_272] : memref<2x!tpu.dma_semaphore, #tpu.memory_space<semaphore_mem>> -> memref<1x!tpu.dma_semaphore, #tpu.memory_space<semaphore_mem>>
    %dma_start3A_274 = tpu.memref_squeeze %dma_start3A_273 : memref<1x!tpu.dma_semaphore, #tpu.memory_space<semaphore_mem>> -> memref<!tpu.dma_semaphore, #tpu.memory_space<semaphore_mem>>
    %dma_start3A_275 = arith.constant 0 : i32
    %dma_start3A_276 = arith.constant 0 : i32
    %dma_start3A_277 = tpu.memref_slice %arg5[%dma_start3A_271, %dma_start3A_275, %dma_start3A_276] : memref<2x1152x64xf32, #tpu.memory_space<vmem>> -> memref<1x1152x64xf32, #tpu.memory_space<vmem>>
    %dma_start3A_278 = tpu.memref_squeeze %dma_start3A_277 : memref<1x1152x64xf32, #tpu.memory_space<vmem>> -> memref<1152x64xf32, #tpu.memory_space<vmem>>
    %dma_start3A_279 = arith.constant 4608 : i32
    %dma_start3A_280 = arith.constant 0 : i32
    %dma_start3A_281 = tpu.memref_slice %arg1[%dma_start3A_279, %dma_start3A_280] : memref<9216x64xf32, #tpu.memory_space<any>> -> memref<1152x64xf32, #tpu.memory_space<any>>
    tpu.enqueue_dma source(%dma_start3A_281 : memref<1152x64xf32, #tpu.memory_space<any>>) target(%dma_start3A_278 : memref<1152x64xf32, #tpu.memory_space<vmem>>) target_semaphore(%dma_start3A_274 : memref<!tpu.dma_semaphore, #tpu.memory_space<semaphore_mem>>)
    %dma_wait3A_282 = arith.constant 1 : i32
    %dma_wait3A_283 = arith.constant 1 : i32
    %dma_wait3A_284 = tpu.memref_slice %arg7[%dma_wait3A_283] : memref<2x!tpu.dma_semaphore, #tpu.memory_space<semaphore_mem>> -> memref<1x!tpu.dma_semaphore, #tpu.memory_space<semaphore_mem>>
    %dma_wait3A_285 = tpu.memref_squeeze %dma_wait3A_284 : memref<1x!tpu.dma_semaphore, #tpu.memory_space<semaphore_mem>> -> memref<!tpu.dma_semaphore, #tpu.memory_space<semaphore_mem>>
    %dma_wait3A_286 = arith.constant 0 : i32
    %dma_wait3A_287 = arith.constant 0 : i32
    %dma_wait3A_288 = tpu.memref_slice %arg5[%dma_wait3A_282, %dma_wait3A_286, %dma_wait3A_287] : memref<2x1152x64xf32, #tpu.memory_space<vmem>> -> memref<1x1152x64xf32, #tpu.memory_space<vmem>>
    %dma_wait3A_289 = tpu.memref_squeeze %dma_wait3A_288 : memref<1x1152x64xf32, #tpu.memory_space<vmem>> -> memref<1152x64xf32, #tpu.memory_space<vmem>>
    %dma_wait3A_290 = arith.constant 3456 : i32
    %dma_wait3A_291 = arith.constant 0 : i32
    %dma_wait3A_292 = tpu.memref_slice %arg1[%dma_wait3A_290, %dma_wait3A_291] : memref<9216x64xf32, #tpu.memory_space<any>> -> memref<1152x64xf32, #tpu.memory_space<any>>
    tpu.wait_dma2 semaphore(%dma_wait3A_285 : memref<!tpu.dma_semaphore, #tpu.memory_space<semaphore_mem>>) src(%dma_wait3A_292 : memref<1152x64xf32, #tpu.memory_space<any>>) dst(%dma_wait3A_289 : memref<1152x64xf32, #tpu.memory_space<vmem>>)
    %get3A_293 = arith.constant 1 : index
    %get3A_294 = arith.constant 0 : index
    %get3A_295 = arith.constant 0 : index
    %get3A_296 = vector.load %arg5[%get3A_293, %get3A_294, %get3A_295] : memref<2x1152x64xf32, #tpu.memory_space<vmem>>, vector<1x1152x64xf32>
    %get3A_297 = vector.shape_cast %get3A_296 : vector<1x1152x64xf32> to vector<1152x64xf32>
    %dot_general3A_298 = arith.constant dense<0.000000e+00> : vector<1024x1152xf32>
    %dot_general3A_299 = tpu.matmul %get3A_11, %get3A_297, %dot_general3A_298 {dimension_numbers = #tpu.dot_dimension_numbers<[1], [1], [0], [0], [0, 0, 1, 0], [], []>, transpose_lhs_hint = false} : vector<1024x64xf32>, vector<1152x64xf32>, vector<1024x1152xf32> -> vector<1024x1152xf32>
    %mul3A_300 = arith.mulf %get3A_297, %get3A_297 : vector<1152x64xf32>
    %reduce_sum3A_301 = arith.constant dense<0.000000e+00> : vector<1152xf32>
    %reduce_sum3A_302 = vector.multi_reduction <add>, %mul3A_300, %reduce_sum3A_301 [1] : vector<1152x64xf32> to vector<1152xf32>
    %broadcast_in_dim3A_303 = vector.shape_cast %reduce_sum3A_302 : vector<1152xf32> to vector<1152x1xf32>
    %transpose3A_304 = tpu.transpose %broadcast_in_dim3A_303, [1, 0] : vector<1152x1xf32> -> vector<1x1152xf32>
    %add3A_305 = vector.broadcast %transpose3A_304 : vector<1x1152xf32> to vector<1024x1152xf32>
    %add3A_306 = vector.broadcast %broadcast_in_dim3A : vector<1024x1xf32> to vector<1024x1152xf32>
    %add3A_307 = arith.addf %add3A_305, %add3A_306 : vector<1024x1152xf32>
    %mul3A_308 = arith.constant 2.000000e+00 : f32
    %mul3A_309 = vector.broadcast %mul3A_308 : f32 to vector<1024x1152xf32>
    %mul3A_310 = arith.mulf %mul3A_309, %dot_general3A_299 : vector<1024x1152xf32>
    %sub3A_311 = arith.subf %add3A_307, %mul3A_310 : vector<1024x1152xf32>
    %max3A_312 = arith.constant 0.000000e+00 : f32
    %max3A_313 = vector.broadcast %max3A_312 : f32 to vector<1024x1152xf32>
    %max3A_314 = arith.maximumf %sub3A_311, %max3A_313 : vector<1024x1152xf32>
    %reduce_min3A_315 = arith.constant dense<0x7F800000> : vector<1152xf32>
    %reduce_min3A_316 = vector.multi_reduction <minimumf>, %max3A_314, %reduce_min3A_315 [0] : vector<1024x1152xf32> to vector<1152xf32>
    %broadcast_in_dim3A_317 = vector.shape_cast %reduce_min3A_316 : vector<1152xf32> to vector<1x1152xf32>
    %eq3A_318 = vector.broadcast %broadcast_in_dim3A_317 : vector<1x1152xf32> to vector<1024x1152xf32>
    %eq3A_319 = arith.cmpf oeq, %max3A_314, %eq3A_318 : vector<1024x1152xf32>
    %jit3A_320 = arith.constant 1024 : i32
    %broadcast_in_dim3A_321 = vector.broadcast %jit3A_320 : i32 to vector<1024x1152xi32>
    %select_n3A_322 = arith.select %eq3A_319, %iota3A, %broadcast_in_dim3A_321 : vector<1024x1152xi1>, vector<1024x1152xi32>
    %reduce_min3A_323 = arith.constant dense<2147483647> : vector<1152xi32>
    %reduce_min3A_324 = vector.multi_reduction <minsi>, %select_n3A_322, %reduce_min3A_323 [0] : vector<1024x1152xi32> to vector<1152xi32>
    %broadcast_in_dim3A_325 = vector.shape_cast %reduce_min3A_324 : vector<1152xi32> to vector<1x1152xi32>
    %reshape3A_326 = vector.shape_cast %broadcast_in_dim3A_325 : vector<1x1152xi32> to vector<1x1x1152xi32>
    %swap3A_327 = arith.constant 3 : index
    %swap3A_328 = arith.constant 0 : index
    %swap3A_329 = arith.constant 0 : index
    %swap3A_330 = vector.load %arg3[%swap3A_327, %swap3A_328, %swap3A_329] : memref<8x1x1152xi32, #tpu.memory_space<vmem>>, vector<1x1x1152xi32>
    tpu.vector_store %arg3[%swap3A_327, %swap3A_328, %swap3A_329], %reshape3A_326 {strides = array<i32>} : memref<8x1x1152xi32, #tpu.memory_space<vmem>>, vector<1x1x1152xi32>,
    %jit3A_331 = arith.constant 0x7F800000 : f32
    %broadcast_in_dim3A_332 = vector.broadcast %jit3A_331 : f32 to vector<1024x1152xf32>
    %select_n3A_333 = arith.select %eq3A_319, %broadcast_in_dim3A_332, %max3A_314 : vector<1024x1152xi1>, vector<1024x1152xf32>
    %reduce_min3A_334 = arith.constant dense<0x7F800000> : vector<1152xf32>
    %reduce_min3A_335 = vector.multi_reduction <minimumf>, %select_n3A_333, %reduce_min3A_334 [0] : vector<1024x1152xf32> to vector<1152xf32>
    %broadcast_in_dim3A_336 = vector.shape_cast %reduce_min3A_335 : vector<1152xf32> to vector<1x1152xf32>
    %mul3A_337 = arith.constant 1.00000095 : f32
    %mul3A_338 = vector.broadcast %mul3A_337 : f32 to vector<1x1152xf32>
    %mul3A_339 = arith.mulf %broadcast_in_dim3A_317, %mul3A_338 : vector<1x1152xf32>
    %le3A_340 = arith.cmpf ole, %broadcast_in_dim3A_336, %mul3A_339 : vector<1x1152xf32>
    %reduce_or3A_341 = arith.constant 1.000000e+00 : f32
    %reduce_or3A_342 = arith.constant 0.000000e+00 : f32
    %reduce_or3A_343 = vector.broadcast %reduce_or3A_341 : f32 to vector<1x1152xf32>
    %reduce_or3A_344 = vector.broadcast %reduce_or3A_342 : f32 to vector<1x1152xf32>
    %reduce_or3A_345 = arith.select %le3A_340, %reduce_or3A_343, %reduce_or3A_344 : vector<1x1152xi1>, vector<1x1152xf32>
    %reduce_or3A_346 = vector.shape_cast %reduce_or3A_345 : vector<1x1152xf32> to vector<1x1x1152xf32>
    %reduce_or3A_347 = arith.constant dense<0xFF800000> : vector<1xf32>
    %reduce_or3A_348 = vector.multi_reduction <maximumf>, %reduce_or3A_346, %reduce_or3A_347 [1, 2] : vector<1x1x1152xf32> to vector<1xf32>
    %reduce_or3A_349 = vector.shape_cast %reduce_or3A_348 : vector<1xf32> to vector<1x1x1xf32>
    %reduce_or3A_350 = vector.extract %reduce_or3A_349[0, 0, 0] : f32 from vector<1x1x1xf32>
    %reduce_or3A_351 = arith.constant 0.000000e+00 : f32
    %reduce_or3A_352 = arith.cmpf ogt, %reduce_or3A_350, %reduce_or3A_351 : f32
    %convert_element_type3A_353 = arith.extui %reduce_or3A_352 : i1 to i32
    %cond3A_354 = arith.constant 0 : i32
    %cond3A_355 = arith.cmpi ne, %convert_element_type3A_353, %cond3A_354 : i32
    scf.if %cond3A_355 {
      %sqrt3A = math.sqrt %max3A_314 : vector<1024x1152xf32>
      %reduce_min3A_721 = arith.constant dense<0x7F800000> : vector<1152xf32>
      %reduce_min3A_722 = vector.multi_reduction <minimumf>, %sqrt3A, %reduce_min3A_721 [0] : vector<1024x1152xf32> to vector<1152xf32>
      %broadcast_in_dim3A_723 = vector.shape_cast %reduce_min3A_722 : vector<1152xf32> to vector<1x1152xf32>
      %eq3A_724 = vector.broadcast %broadcast_in_dim3A_723 : vector<1x1152xf32> to vector<1024x1152xf32>
      %eq3A_725 = arith.cmpf oeq, %sqrt3A, %eq3A_724 : vector<1024x1152xf32>
      %jit3A_726 = arith.constant 1024 : i32
      %broadcast_in_dim3A_727 = vector.broadcast %jit3A_726 : i32 to vector<1024x1152xi32>
      %select_n3A_728 = arith.select %eq3A_725, %iota3A, %broadcast_in_dim3A_727 : vector<1024x1152xi1>, vector<1024x1152xi32>
      %reduce_min3A_729 = arith.constant dense<2147483647> : vector<1152xi32>
      %reduce_min3A_730 = vector.multi_reduction <minsi>, %select_n3A_728, %reduce_min3A_729 [0] : vector<1024x1152xi32> to vector<1152xi32>
      %broadcast_in_dim3A_731 = vector.shape_cast %reduce_min3A_730 : vector<1152xi32> to vector<1x1152xi32>
      %reshape3A_732 = vector.shape_cast %broadcast_in_dim3A_731 : vector<1x1152xi32> to vector<1x1x1152xi32>
      %swap3A_733 = arith.constant 3 : index
      %swap3A_734 = arith.constant 0 : index
      %swap3A_735 = arith.constant 0 : index
      %swap3A_736 = vector.load %arg3[%swap3A_733, %swap3A_734, %swap3A_735] : memref<8x1x1152xi32, #tpu.memory_space<vmem>>, vector<1x1x1152xi32>
      tpu.vector_store %arg3[%swap3A_733, %swap3A_734, %swap3A_735], %reshape3A_732 {strides = array<i32>} : memref<8x1x1152xi32, #tpu.memory_space<vmem>>, vector<1x1x1152xi32>,
    } else {
    }
    %reduce_sum3A_356 = vector.shape_cast %broadcast_in_dim3A_317 : vector<1x1152xf32> to vector<1x1x1152xf32>
    %reduce_sum3A_357 = arith.constant dense<0.000000e+00> : vector<1xf32>
    %reduce_sum3A_358 = vector.multi_reduction <add>, %reduce_sum3A_356, %reduce_sum3A_357 [1, 2] : vector<1x1x1152xf32> to vector<1xf32>
    %reduce_sum3A_359 = vector.shape_cast %reduce_sum3A_358 : vector<1xf32> to vector<1x1x1xf32>
    %reduce_sum3A_360 = vector.extract %reduce_sum3A_359[0, 0, 0] : f32 from vector<1x1x1xf32>
    %add3A_361 = arith.addf %add3A_270, %reduce_sum3A_360 : f32
    %dma_start3A_362 = arith.constant 1 : i32
    %dma_start3A_363 = arith.constant 1 : i32
    %dma_start3A_364 = tpu.memref_slice %arg7[%dma_start3A_363] : memref<2x!tpu.dma_semaphore, #tpu.memory_space<semaphore_mem>> -> memref<1x!tpu.dma_semaphore, #tpu.memory_space<semaphore_mem>>
    %dma_start3A_365 = tpu.memref_squeeze %dma_start3A_364 : memref<1x!tpu.dma_semaphore, #tpu.memory_space<semaphore_mem>> -> memref<!tpu.dma_semaphore, #tpu.memory_space<semaphore_mem>>
    %dma_start3A_366 = arith.constant 0 : i32
    %dma_start3A_367 = arith.constant 0 : i32
    %dma_start3A_368 = tpu.memref_slice %arg5[%dma_start3A_362, %dma_start3A_366, %dma_start3A_367] : memref<2x1152x64xf32, #tpu.memory_space<vmem>> -> memref<1x1152x64xf32, #tpu.memory_space<vmem>>
    %dma_start3A_369 = tpu.memref_squeeze %dma_start3A_368 : memref<1x1152x64xf32, #tpu.memory_space<vmem>> -> memref<1152x64xf32, #tpu.memory_space<vmem>>
    %dma_start3A_370 = arith.constant 5760 : i32
    %dma_start3A_371 = arith.constant 0 : i32
    %dma_start3A_372 = tpu.memref_slice %arg1[%dma_start3A_370, %dma_start3A_371] : memref<9216x64xf32, #tpu.memory_space<any>> -> memref<1152x64xf32, #tpu.memory_space<any>>
    tpu.enqueue_dma source(%dma_start3A_372 : memref<1152x64xf32, #tpu.memory_space<any>>) target(%dma_start3A_369 : memref<1152x64xf32, #tpu.memory_space<vmem>>) target_semaphore(%dma_start3A_365 : memref<!tpu.dma_semaphore, #tpu.memory_space<semaphore_mem>>)
    %dma_wait3A_373 = arith.constant 0 : i32
    %dma_wait3A_374 = arith.constant 0 : i32
    %dma_wait3A_375 = tpu.memref_slice %arg7[%dma_wait3A_374] : memref<2x!tpu.dma_semaphore, #tpu.memory_space<semaphore_mem>> -> memref<1x!tpu.dma_semaphore, #tpu.memory_space<semaphore_mem>>
    %dma_wait3A_376 = tpu.memref_squeeze %dma_wait3A_375 : memref<1x!tpu.dma_semaphore, #tpu.memory_space<semaphore_mem>> -> memref<!tpu.dma_semaphore, #tpu.memory_space<semaphore_mem>>
    %dma_wait3A_377 = arith.constant 0 : i32
    %dma_wait3A_378 = arith.constant 0 : i32
    %dma_wait3A_379 = tpu.memref_slice %arg5[%dma_wait3A_373, %dma_wait3A_377, %dma_wait3A_378] : memref<2x1152x64xf32, #tpu.memory_space<vmem>> -> memref<1x1152x64xf32, #tpu.memory_space<vmem>>
    %dma_wait3A_380 = tpu.memref_squeeze %dma_wait3A_379 : memref<1x1152x64xf32, #tpu.memory_space<vmem>> -> memref<1152x64xf32, #tpu.memory_space<vmem>>
    %dma_wait3A_381 = arith.constant 4608 : i32
    %dma_wait3A_382 = arith.constant 0 : i32
    %dma_wait3A_383 = tpu.memref_slice %arg1[%dma_wait3A_381, %dma_wait3A_382] : memref<9216x64xf32, #tpu.memory_space<any>> -> memref<1152x64xf32, #tpu.memory_space<any>>
    tpu.wait_dma2 semaphore(%dma_wait3A_376 : memref<!tpu.dma_semaphore, #tpu.memory_space<semaphore_mem>>) src(%dma_wait3A_383 : memref<1152x64xf32, #tpu.memory_space<any>>) dst(%dma_wait3A_380 : memref<1152x64xf32, #tpu.memory_space<vmem>>)
    %get3A_384 = arith.constant 0 : index
    %get3A_385 = arith.constant 0 : index
    %get3A_386 = arith.constant 0 : index
    %get3A_387 = vector.load %arg5[%get3A_384, %get3A_385, %get3A_386] : memref<2x1152x64xf32, #tpu.memory_space<vmem>>, vector<1x1152x64xf32>
    %get3A_388 = vector.shape_cast %get3A_387 : vector<1x1152x64xf32> to vector<1152x64xf32>
    %dot_general3A_389 = arith.constant dense<0.000000e+00> : vector<1024x1152xf32>
    %dot_general3A_390 = tpu.matmul %get3A_11, %get3A_388, %dot_general3A_389 {dimension_numbers = #tpu.dot_dimension_numbers<[1], [1], [0], [0], [0, 0, 1, 0], [], []>, transpose_lhs_hint = false} : vector<1024x64xf32>, vector<1152x64xf32>, vector<1024x1152xf32> -> vector<1024x1152xf32>
    %mul3A_391 = arith.mulf %get3A_388, %get3A_388 : vector<1152x64xf32>
    %reduce_sum3A_392 = arith.constant dense<0.000000e+00> : vector<1152xf32>
    %reduce_sum3A_393 = vector.multi_reduction <add>, %mul3A_391, %reduce_sum3A_392 [1] : vector<1152x64xf32> to vector<1152xf32>
    %broadcast_in_dim3A_394 = vector.shape_cast %reduce_sum3A_393 : vector<1152xf32> to vector<1152x1xf32>
    %transpose3A_395 = tpu.transpose %broadcast_in_dim3A_394, [1, 0] : vector<1152x1xf32> -> vector<1x1152xf32>
    %add3A_396 = vector.broadcast %transpose3A_395 : vector<1x1152xf32> to vector<1024x1152xf32>
    %add3A_397 = vector.broadcast %broadcast_in_dim3A : vector<1024x1xf32> to vector<1024x1152xf32>
    %add3A_398 = arith.addf %add3A_396, %add3A_397 : vector<1024x1152xf32>
    %mul3A_399 = arith.constant 2.000000e+00 : f32
    %mul3A_400 = vector.broadcast %mul3A_399 : f32 to vector<1024x1152xf32>
    %mul3A_401 = arith.mulf %mul3A_400, %dot_general3A_390 : vector<1024x1152xf32>
    %sub3A_402 = arith.subf %add3A_398, %mul3A_401 : vector<1024x1152xf32>
    %max3A_403 = arith.constant 0.000000e+00 : f32
    %max3A_404 = vector.broadcast %max3A_403 : f32 to vector<1024x1152xf32>
    %max3A_405 = arith.maximumf %sub3A_402, %max3A_404 : vector<1024x1152xf32>
    %reduce_min3A_406 = arith.constant dense<0x7F800000> : vector<1152xf32>
    %reduce_min3A_407 = vector.multi_reduction <minimumf>, %max3A_405, %reduce_min3A_406 [0] : vector<1024x1152xf32> to vector<1152xf32>
    %broadcast_in_dim3A_408 = vector.shape_cast %reduce_min3A_407 : vector<1152xf32> to vector<1x1152xf32>
    %eq3A_409 = vector.broadcast %broadcast_in_dim3A_408 : vector<1x1152xf32> to vector<1024x1152xf32>
    %eq3A_410 = arith.cmpf oeq, %max3A_405, %eq3A_409 : vector<1024x1152xf32>
    %jit3A_411 = arith.constant 1024 : i32
    %broadcast_in_dim3A_412 = vector.broadcast %jit3A_411 : i32 to vector<1024x1152xi32>
    %select_n3A_413 = arith.select %eq3A_410, %iota3A, %broadcast_in_dim3A_412 : vector<1024x1152xi1>, vector<1024x1152xi32>
    %reduce_min3A_414 = arith.constant dense<2147483647> : vector<1152xi32>
    %reduce_min3A_415 = vector.multi_reduction <minsi>, %select_n3A_413, %reduce_min3A_414 [0] : vector<1024x1152xi32> to vector<1152xi32>
    %broadcast_in_dim3A_416 = vector.shape_cast %reduce_min3A_415 : vector<1152xi32> to vector<1x1152xi32>
    %reshape3A_417 = vector.shape_cast %broadcast_in_dim3A_416 : vector<1x1152xi32> to vector<1x1x1152xi32>
    %swap3A_418 = arith.constant 4 : index
    %swap3A_419 = arith.constant 0 : index
    %swap3A_420 = arith.constant 0 : index
    %swap3A_421 = vector.load %arg3[%swap3A_418, %swap3A_419, %swap3A_420] : memref<8x1x1152xi32, #tpu.memory_space<vmem>>, vector<1x1x1152xi32>
    tpu.vector_store %arg3[%swap3A_418, %swap3A_419, %swap3A_420], %reshape3A_417 {strides = array<i32>} : memref<8x1x1152xi32, #tpu.memory_space<vmem>>, vector<1x1x1152xi32>,
    %jit3A_422 = arith.constant 0x7F800000 : f32
    %broadcast_in_dim3A_423 = vector.broadcast %jit3A_422 : f32 to vector<1024x1152xf32>
    %select_n3A_424 = arith.select %eq3A_410, %broadcast_in_dim3A_423, %max3A_405 : vector<1024x1152xi1>, vector<1024x1152xf32>
    %reduce_min3A_425 = arith.constant dense<0x7F800000> : vector<1152xf32>
    %reduce_min3A_426 = vector.multi_reduction <minimumf>, %select_n3A_424, %reduce_min3A_425 [0] : vector<1024x1152xf32> to vector<1152xf32>
    %broadcast_in_dim3A_427 = vector.shape_cast %reduce_min3A_426 : vector<1152xf32> to vector<1x1152xf32>
    %mul3A_428 = arith.constant 1.00000095 : f32
    %mul3A_429 = vector.broadcast %mul3A_428 : f32 to vector<1x1152xf32>
    %mul3A_430 = arith.mulf %broadcast_in_dim3A_408, %mul3A_429 : vector<1x1152xf32>
    %le3A_431 = arith.cmpf ole, %broadcast_in_dim3A_427, %mul3A_430 : vector<1x1152xf32>
    %reduce_or3A_432 = arith.constant 1.000000e+00 : f32
    %reduce_or3A_433 = arith.constant 0.000000e+00 : f32
    %reduce_or3A_434 = vector.broadcast %reduce_or3A_432 : f32 to vector<1x1152xf32>
    %reduce_or3A_435 = vector.broadcast %reduce_or3A_433 : f32 to vector<1x1152xf32>
    %reduce_or3A_436 = arith.select %le3A_431, %reduce_or3A_434, %reduce_or3A_435 : vector<1x1152xi1>, vector<1x1152xf32>
    %reduce_or3A_437 = vector.shape_cast %reduce_or3A_436 : vector<1x1152xf32> to vector<1x1x1152xf32>
    %reduce_or3A_438 = arith.constant dense<0xFF800000> : vector<1xf32>
    %reduce_or3A_439 = vector.multi_reduction <maximumf>, %reduce_or3A_437, %reduce_or3A_438 [1, 2] : vector<1x1x1152xf32> to vector<1xf32>
    %reduce_or3A_440 = vector.shape_cast %reduce_or3A_439 : vector<1xf32> to vector<1x1x1xf32>
    %reduce_or3A_441 = vector.extract %reduce_or3A_440[0, 0, 0] : f32 from vector<1x1x1xf32>
    %reduce_or3A_442 = arith.constant 0.000000e+00 : f32
    %reduce_or3A_443 = arith.cmpf ogt, %reduce_or3A_441, %reduce_or3A_442 : f32
    %convert_element_type3A_444 = arith.extui %reduce_or3A_443 : i1 to i32
    %cond3A_445 = arith.constant 0 : i32
    %cond3A_446 = arith.cmpi ne, %convert_element_type3A_444, %cond3A_445 : i32
    scf.if %cond3A_446 {
      %sqrt3A = math.sqrt %max3A_405 : vector<1024x1152xf32>
      %reduce_min3A_721 = arith.constant dense<0x7F800000> : vector<1152xf32>
      %reduce_min3A_722 = vector.multi_reduction <minimumf>, %sqrt3A, %reduce_min3A_721 [0] : vector<1024x1152xf32> to vector<1152xf32>
      %broadcast_in_dim3A_723 = vector.shape_cast %reduce_min3A_722 : vector<1152xf32> to vector<1x1152xf32>
      %eq3A_724 = vector.broadcast %broadcast_in_dim3A_723 : vector<1x1152xf32> to vector<1024x1152xf32>
      %eq3A_725 = arith.cmpf oeq, %sqrt3A, %eq3A_724 : vector<1024x1152xf32>
      %jit3A_726 = arith.constant 1024 : i32
      %broadcast_in_dim3A_727 = vector.broadcast %jit3A_726 : i32 to vector<1024x1152xi32>
      %select_n3A_728 = arith.select %eq3A_725, %iota3A, %broadcast_in_dim3A_727 : vector<1024x1152xi1>, vector<1024x1152xi32>
      %reduce_min3A_729 = arith.constant dense<2147483647> : vector<1152xi32>
      %reduce_min3A_730 = vector.multi_reduction <minsi>, %select_n3A_728, %reduce_min3A_729 [0] : vector<1024x1152xi32> to vector<1152xi32>
      %broadcast_in_dim3A_731 = vector.shape_cast %reduce_min3A_730 : vector<1152xi32> to vector<1x1152xi32>
      %reshape3A_732 = vector.shape_cast %broadcast_in_dim3A_731 : vector<1x1152xi32> to vector<1x1x1152xi32>
      %swap3A_733 = arith.constant 4 : index
      %swap3A_734 = arith.constant 0 : index
      %swap3A_735 = arith.constant 0 : index
      %swap3A_736 = vector.load %arg3[%swap3A_733, %swap3A_734, %swap3A_735] : memref<8x1x1152xi32, #tpu.memory_space<vmem>>, vector<1x1x1152xi32>
      tpu.vector_store %arg3[%swap3A_733, %swap3A_734, %swap3A_735], %reshape3A_732 {strides = array<i32>} : memref<8x1x1152xi32, #tpu.memory_space<vmem>>, vector<1x1x1152xi32>,
    } else {
    }
    %reduce_sum3A_447 = vector.shape_cast %broadcast_in_dim3A_408 : vector<1x1152xf32> to vector<1x1x1152xf32>
    %reduce_sum3A_448 = arith.constant dense<0.000000e+00> : vector<1xf32>
    %reduce_sum3A_449 = vector.multi_reduction <add>, %reduce_sum3A_447, %reduce_sum3A_448 [1, 2] : vector<1x1x1152xf32> to vector<1xf32>
    %reduce_sum3A_450 = vector.shape_cast %reduce_sum3A_449 : vector<1xf32> to vector<1x1x1xf32>
    %reduce_sum3A_451 = vector.extract %reduce_sum3A_450[0, 0, 0] : f32 from vector<1x1x1xf32>
    %add3A_452 = arith.addf %add3A_361, %reduce_sum3A_451 : f32
    %dma_start3A_453 = arith.constant 0 : i32
    %dma_start3A_454 = arith.constant 0 : i32
    %dma_start3A_455 = tpu.memref_slice %arg7[%dma_start3A_454] : memref<2x!tpu.dma_semaphore, #tpu.memory_space<semaphore_mem>> -> memref<1x!tpu.dma_semaphore, #tpu.memory_space<semaphore_mem>>
    %dma_start3A_456 = tpu.memref_squeeze %dma_start3A_455 : memref<1x!tpu.dma_semaphore, #tpu.memory_space<semaphore_mem>> -> memref<!tpu.dma_semaphore, #tpu.memory_space<semaphore_mem>>
    %dma_start3A_457 = arith.constant 0 : i32
    %dma_start3A_458 = arith.constant 0 : i32
    %dma_start3A_459 = tpu.memref_slice %arg5[%dma_start3A_453, %dma_start3A_457, %dma_start3A_458] : memref<2x1152x64xf32, #tpu.memory_space<vmem>> -> memref<1x1152x64xf32, #tpu.memory_space<vmem>>
    %dma_start3A_460 = tpu.memref_squeeze %dma_start3A_459 : memref<1x1152x64xf32, #tpu.memory_space<vmem>> -> memref<1152x64xf32, #tpu.memory_space<vmem>>
    %dma_start3A_461 = arith.constant 6912 : i32
    %dma_start3A_462 = arith.constant 0 : i32
    %dma_start3A_463 = tpu.memref_slice %arg1[%dma_start3A_461, %dma_start3A_462] : memref<9216x64xf32, #tpu.memory_space<any>> -> memref<1152x64xf32, #tpu.memory_space<any>>
    tpu.enqueue_dma source(%dma_start3A_463 : memref<1152x64xf32, #tpu.memory_space<any>>) target(%dma_start3A_460 : memref<1152x64xf32, #tpu.memory_space<vmem>>) target_semaphore(%dma_start3A_456 : memref<!tpu.dma_semaphore, #tpu.memory_space<semaphore_mem>>)
    %dma_wait3A_464 = arith.constant 1 : i32
    %dma_wait3A_465 = arith.constant 1 : i32
    %dma_wait3A_466 = tpu.memref_slice %arg7[%dma_wait3A_465] : memref<2x!tpu.dma_semaphore, #tpu.memory_space<semaphore_mem>> -> memref<1x!tpu.dma_semaphore, #tpu.memory_space<semaphore_mem>>
    %dma_wait3A_467 = tpu.memref_squeeze %dma_wait3A_466 : memref<1x!tpu.dma_semaphore, #tpu.memory_space<semaphore_mem>> -> memref<!tpu.dma_semaphore, #tpu.memory_space<semaphore_mem>>
    %dma_wait3A_468 = arith.constant 0 : i32
    %dma_wait3A_469 = arith.constant 0 : i32
    %dma_wait3A_470 = tpu.memref_slice %arg5[%dma_wait3A_464, %dma_wait3A_468, %dma_wait3A_469] : memref<2x1152x64xf32, #tpu.memory_space<vmem>> -> memref<1x1152x64xf32, #tpu.memory_space<vmem>>
    %dma_wait3A_471 = tpu.memref_squeeze %dma_wait3A_470 : memref<1x1152x64xf32, #tpu.memory_space<vmem>> -> memref<1152x64xf32, #tpu.memory_space<vmem>>
    %dma_wait3A_472 = arith.constant 5760 : i32
    %dma_wait3A_473 = arith.constant 0 : i32
    %dma_wait3A_474 = tpu.memref_slice %arg1[%dma_wait3A_472, %dma_wait3A_473] : memref<9216x64xf32, #tpu.memory_space<any>> -> memref<1152x64xf32, #tpu.memory_space<any>>
    tpu.wait_dma2 semaphore(%dma_wait3A_467 : memref<!tpu.dma_semaphore, #tpu.memory_space<semaphore_mem>>) src(%dma_wait3A_474 : memref<1152x64xf32, #tpu.memory_space<any>>) dst(%dma_wait3A_471 : memref<1152x64xf32, #tpu.memory_space<vmem>>)
    %get3A_475 = arith.constant 1 : index
    %get3A_476 = arith.constant 0 : index
    %get3A_477 = arith.constant 0 : index
    %get3A_478 = vector.load %arg5[%get3A_475, %get3A_476, %get3A_477] : memref<2x1152x64xf32, #tpu.memory_space<vmem>>, vector<1x1152x64xf32>
    %get3A_479 = vector.shape_cast %get3A_478 : vector<1x1152x64xf32> to vector<1152x64xf32>
    %dot_general3A_480 = arith.constant dense<0.000000e+00> : vector<1024x1152xf32>
    %dot_general3A_481 = tpu.matmul %get3A_11, %get3A_479, %dot_general3A_480 {dimension_numbers = #tpu.dot_dimension_numbers<[1], [1], [0], [0], [0, 0, 1, 0], [], []>, transpose_lhs_hint = false} : vector<1024x64xf32>, vector<1152x64xf32>, vector<1024x1152xf32> -> vector<1024x1152xf32>
    %mul3A_482 = arith.mulf %get3A_479, %get3A_479 : vector<1152x64xf32>
    %reduce_sum3A_483 = arith.constant dense<0.000000e+00> : vector<1152xf32>
    %reduce_sum3A_484 = vector.multi_reduction <add>, %mul3A_482, %reduce_sum3A_483 [1] : vector<1152x64xf32> to vector<1152xf32>
    %broadcast_in_dim3A_485 = vector.shape_cast %reduce_sum3A_484 : vector<1152xf32> to vector<1152x1xf32>
    %transpose3A_486 = tpu.transpose %broadcast_in_dim3A_485, [1, 0] : vector<1152x1xf32> -> vector<1x1152xf32>
    %add3A_487 = vector.broadcast %transpose3A_486 : vector<1x1152xf32> to vector<1024x1152xf32>
    %add3A_488 = vector.broadcast %broadcast_in_dim3A : vector<1024x1xf32> to vector<1024x1152xf32>
    %add3A_489 = arith.addf %add3A_487, %add3A_488 : vector<1024x1152xf32>
    %mul3A_490 = arith.constant 2.000000e+00 : f32
    %mul3A_491 = vector.broadcast %mul3A_490 : f32 to vector<1024x1152xf32>
    %mul3A_492 = arith.mulf %mul3A_491, %dot_general3A_481 : vector<1024x1152xf32>
    %sub3A_493 = arith.subf %add3A_489, %mul3A_492 : vector<1024x1152xf32>
    %max3A_494 = arith.constant 0.000000e+00 : f32
    %max3A_495 = vector.broadcast %max3A_494 : f32 to vector<1024x1152xf32>
    %max3A_496 = arith.maximumf %sub3A_493, %max3A_495 : vector<1024x1152xf32>
    %reduce_min3A_497 = arith.constant dense<0x7F800000> : vector<1152xf32>
    %reduce_min3A_498 = vector.multi_reduction <minimumf>, %max3A_496, %reduce_min3A_497 [0] : vector<1024x1152xf32> to vector<1152xf32>
    %broadcast_in_dim3A_499 = vector.shape_cast %reduce_min3A_498 : vector<1152xf32> to vector<1x1152xf32>
    %eq3A_500 = vector.broadcast %broadcast_in_dim3A_499 : vector<1x1152xf32> to vector<1024x1152xf32>
    %eq3A_501 = arith.cmpf oeq, %max3A_496, %eq3A_500 : vector<1024x1152xf32>
    %jit3A_502 = arith.constant 1024 : i32
    %broadcast_in_dim3A_503 = vector.broadcast %jit3A_502 : i32 to vector<1024x1152xi32>
    %select_n3A_504 = arith.select %eq3A_501, %iota3A, %broadcast_in_dim3A_503 : vector<1024x1152xi1>, vector<1024x1152xi32>
    %reduce_min3A_505 = arith.constant dense<2147483647> : vector<1152xi32>
    %reduce_min3A_506 = vector.multi_reduction <minsi>, %select_n3A_504, %reduce_min3A_505 [0] : vector<1024x1152xi32> to vector<1152xi32>
    %broadcast_in_dim3A_507 = vector.shape_cast %reduce_min3A_506 : vector<1152xi32> to vector<1x1152xi32>
    %reshape3A_508 = vector.shape_cast %broadcast_in_dim3A_507 : vector<1x1152xi32> to vector<1x1x1152xi32>
    %swap3A_509 = arith.constant 5 : index
    %swap3A_510 = arith.constant 0 : index
    %swap3A_511 = arith.constant 0 : index
    %swap3A_512 = vector.load %arg3[%swap3A_509, %swap3A_510, %swap3A_511] : memref<8x1x1152xi32, #tpu.memory_space<vmem>>, vector<1x1x1152xi32>
    tpu.vector_store %arg3[%swap3A_509, %swap3A_510, %swap3A_511], %reshape3A_508 {strides = array<i32>} : memref<8x1x1152xi32, #tpu.memory_space<vmem>>, vector<1x1x1152xi32>,
    %jit3A_513 = arith.constant 0x7F800000 : f32
    %broadcast_in_dim3A_514 = vector.broadcast %jit3A_513 : f32 to vector<1024x1152xf32>
    %select_n3A_515 = arith.select %eq3A_501, %broadcast_in_dim3A_514, %max3A_496 : vector<1024x1152xi1>, vector<1024x1152xf32>
    %reduce_min3A_516 = arith.constant dense<0x7F800000> : vector<1152xf32>
    %reduce_min3A_517 = vector.multi_reduction <minimumf>, %select_n3A_515, %reduce_min3A_516 [0] : vector<1024x1152xf32> to vector<1152xf32>
    %broadcast_in_dim3A_518 = vector.shape_cast %reduce_min3A_517 : vector<1152xf32> to vector<1x1152xf32>
    %mul3A_519 = arith.constant 1.00000095 : f32
    %mul3A_520 = vector.broadcast %mul3A_519 : f32 to vector<1x1152xf32>
    %mul3A_521 = arith.mulf %broadcast_in_dim3A_499, %mul3A_520 : vector<1x1152xf32>
    %le3A_522 = arith.cmpf ole, %broadcast_in_dim3A_518, %mul3A_521 : vector<1x1152xf32>
    %reduce_or3A_523 = arith.constant 1.000000e+00 : f32
    %reduce_or3A_524 = arith.constant 0.000000e+00 : f32
    %reduce_or3A_525 = vector.broadcast %reduce_or3A_523 : f32 to vector<1x1152xf32>
    %reduce_or3A_526 = vector.broadcast %reduce_or3A_524 : f32 to vector<1x1152xf32>
    %reduce_or3A_527 = arith.select %le3A_522, %reduce_or3A_525, %reduce_or3A_526 : vector<1x1152xi1>, vector<1x1152xf32>
    %reduce_or3A_528 = vector.shape_cast %reduce_or3A_527 : vector<1x1152xf32> to vector<1x1x1152xf32>
    %reduce_or3A_529 = arith.constant dense<0xFF800000> : vector<1xf32>
    %reduce_or3A_530 = vector.multi_reduction <maximumf>, %reduce_or3A_528, %reduce_or3A_529 [1, 2] : vector<1x1x1152xf32> to vector<1xf32>
    %reduce_or3A_531 = vector.shape_cast %reduce_or3A_530 : vector<1xf32> to vector<1x1x1xf32>
    %reduce_or3A_532 = vector.extract %reduce_or3A_531[0, 0, 0] : f32 from vector<1x1x1xf32>
    %reduce_or3A_533 = arith.constant 0.000000e+00 : f32
    %reduce_or3A_534 = arith.cmpf ogt, %reduce_or3A_532, %reduce_or3A_533 : f32
    %convert_element_type3A_535 = arith.extui %reduce_or3A_534 : i1 to i32
    %cond3A_536 = arith.constant 0 : i32
    %cond3A_537 = arith.cmpi ne, %convert_element_type3A_535, %cond3A_536 : i32
    scf.if %cond3A_537 {
      %sqrt3A = math.sqrt %max3A_496 : vector<1024x1152xf32>
      %reduce_min3A_721 = arith.constant dense<0x7F800000> : vector<1152xf32>
      %reduce_min3A_722 = vector.multi_reduction <minimumf>, %sqrt3A, %reduce_min3A_721 [0] : vector<1024x1152xf32> to vector<1152xf32>
      %broadcast_in_dim3A_723 = vector.shape_cast %reduce_min3A_722 : vector<1152xf32> to vector<1x1152xf32>
      %eq3A_724 = vector.broadcast %broadcast_in_dim3A_723 : vector<1x1152xf32> to vector<1024x1152xf32>
      %eq3A_725 = arith.cmpf oeq, %sqrt3A, %eq3A_724 : vector<1024x1152xf32>
      %jit3A_726 = arith.constant 1024 : i32
      %broadcast_in_dim3A_727 = vector.broadcast %jit3A_726 : i32 to vector<1024x1152xi32>
      %select_n3A_728 = arith.select %eq3A_725, %iota3A, %broadcast_in_dim3A_727 : vector<1024x1152xi1>, vector<1024x1152xi32>
      %reduce_min3A_729 = arith.constant dense<2147483647> : vector<1152xi32>
      %reduce_min3A_730 = vector.multi_reduction <minsi>, %select_n3A_728, %reduce_min3A_729 [0] : vector<1024x1152xi32> to vector<1152xi32>
      %broadcast_in_dim3A_731 = vector.shape_cast %reduce_min3A_730 : vector<1152xi32> to vector<1x1152xi32>
      %reshape3A_732 = vector.shape_cast %broadcast_in_dim3A_731 : vector<1x1152xi32> to vector<1x1x1152xi32>
      %swap3A_733 = arith.constant 5 : index
      %swap3A_734 = arith.constant 0 : index
      %swap3A_735 = arith.constant 0 : index
      %swap3A_736 = vector.load %arg3[%swap3A_733, %swap3A_734, %swap3A_735] : memref<8x1x1152xi32, #tpu.memory_space<vmem>>, vector<1x1x1152xi32>
      tpu.vector_store %arg3[%swap3A_733, %swap3A_734, %swap3A_735], %reshape3A_732 {strides = array<i32>} : memref<8x1x1152xi32, #tpu.memory_space<vmem>>, vector<1x1x1152xi32>,
    } else {
    }
    %reduce_sum3A_538 = vector.shape_cast %broadcast_in_dim3A_499 : vector<1x1152xf32> to vector<1x1x1152xf32>
    %reduce_sum3A_539 = arith.constant dense<0.000000e+00> : vector<1xf32>
    %reduce_sum3A_540 = vector.multi_reduction <add>, %reduce_sum3A_538, %reduce_sum3A_539 [1, 2] : vector<1x1x1152xf32> to vector<1xf32>
    %reduce_sum3A_541 = vector.shape_cast %reduce_sum3A_540 : vector<1xf32> to vector<1x1x1xf32>
    %reduce_sum3A_542 = vector.extract %reduce_sum3A_541[0, 0, 0] : f32 from vector<1x1x1xf32>
    %add3A_543 = arith.addf %add3A_452, %reduce_sum3A_542 : f32
    %dma_start3A_544 = arith.constant 1 : i32
    %dma_start3A_545 = arith.constant 1 : i32
    %dma_start3A_546 = tpu.memref_slice %arg7[%dma_start3A_545] : memref<2x!tpu.dma_semaphore, #tpu.memory_space<semaphore_mem>> -> memref<1x!tpu.dma_semaphore, #tpu.memory_space<semaphore_mem>>
    %dma_start3A_547 = tpu.memref_squeeze %dma_start3A_546 : memref<1x!tpu.dma_semaphore, #tpu.memory_space<semaphore_mem>> -> memref<!tpu.dma_semaphore, #tpu.memory_space<semaphore_mem>>
    %dma_start3A_548 = arith.constant 0 : i32
    %dma_start3A_549 = arith.constant 0 : i32
    %dma_start3A_550 = tpu.memref_slice %arg5[%dma_start3A_544, %dma_start3A_548, %dma_start3A_549] : memref<2x1152x64xf32, #tpu.memory_space<vmem>> -> memref<1x1152x64xf32, #tpu.memory_space<vmem>>
    %dma_start3A_551 = tpu.memref_squeeze %dma_start3A_550 : memref<1x1152x64xf32, #tpu.memory_space<vmem>> -> memref<1152x64xf32, #tpu.memory_space<vmem>>
    %dma_start3A_552 = arith.constant 8064 : i32
    %dma_start3A_553 = arith.constant 0 : i32
    %dma_start3A_554 = tpu.memref_slice %arg1[%dma_start3A_552, %dma_start3A_553] : memref<9216x64xf32, #tpu.memory_space<any>> -> memref<1152x64xf32, #tpu.memory_space<any>>
    tpu.enqueue_dma source(%dma_start3A_554 : memref<1152x64xf32, #tpu.memory_space<any>>) target(%dma_start3A_551 : memref<1152x64xf32, #tpu.memory_space<vmem>>) target_semaphore(%dma_start3A_547 : memref<!tpu.dma_semaphore, #tpu.memory_space<semaphore_mem>>)
    %dma_wait3A_555 = arith.constant 0 : i32
    %dma_wait3A_556 = arith.constant 0 : i32
    %dma_wait3A_557 = tpu.memref_slice %arg7[%dma_wait3A_556] : memref<2x!tpu.dma_semaphore, #tpu.memory_space<semaphore_mem>> -> memref<1x!tpu.dma_semaphore, #tpu.memory_space<semaphore_mem>>
    %dma_wait3A_558 = tpu.memref_squeeze %dma_wait3A_557 : memref<1x!tpu.dma_semaphore, #tpu.memory_space<semaphore_mem>> -> memref<!tpu.dma_semaphore, #tpu.memory_space<semaphore_mem>>
    %dma_wait3A_559 = arith.constant 0 : i32
    %dma_wait3A_560 = arith.constant 0 : i32
    %dma_wait3A_561 = tpu.memref_slice %arg5[%dma_wait3A_555, %dma_wait3A_559, %dma_wait3A_560] : memref<2x1152x64xf32, #tpu.memory_space<vmem>> -> memref<1x1152x64xf32, #tpu.memory_space<vmem>>
    %dma_wait3A_562 = tpu.memref_squeeze %dma_wait3A_561 : memref<1x1152x64xf32, #tpu.memory_space<vmem>> -> memref<1152x64xf32, #tpu.memory_space<vmem>>
    %dma_wait3A_563 = arith.constant 6912 : i32
    %dma_wait3A_564 = arith.constant 0 : i32
    %dma_wait3A_565 = tpu.memref_slice %arg1[%dma_wait3A_563, %dma_wait3A_564] : memref<9216x64xf32, #tpu.memory_space<any>> -> memref<1152x64xf32, #tpu.memory_space<any>>
    tpu.wait_dma2 semaphore(%dma_wait3A_558 : memref<!tpu.dma_semaphore, #tpu.memory_space<semaphore_mem>>) src(%dma_wait3A_565 : memref<1152x64xf32, #tpu.memory_space<any>>) dst(%dma_wait3A_562 : memref<1152x64xf32, #tpu.memory_space<vmem>>)
    %get3A_566 = arith.constant 0 : index
    %get3A_567 = arith.constant 0 : index
    %get3A_568 = arith.constant 0 : index
    %get3A_569 = vector.load %arg5[%get3A_566, %get3A_567, %get3A_568] : memref<2x1152x64xf32, #tpu.memory_space<vmem>>, vector<1x1152x64xf32>
    %get3A_570 = vector.shape_cast %get3A_569 : vector<1x1152x64xf32> to vector<1152x64xf32>
    %dot_general3A_571 = arith.constant dense<0.000000e+00> : vector<1024x1152xf32>
    %dot_general3A_572 = tpu.matmul %get3A_11, %get3A_570, %dot_general3A_571 {dimension_numbers = #tpu.dot_dimension_numbers<[1], [1], [0], [0], [0, 0, 1, 0], [], []>, transpose_lhs_hint = false} : vector<1024x64xf32>, vector<1152x64xf32>, vector<1024x1152xf32> -> vector<1024x1152xf32>
    %mul3A_573 = arith.mulf %get3A_570, %get3A_570 : vector<1152x64xf32>
    %reduce_sum3A_574 = arith.constant dense<0.000000e+00> : vector<1152xf32>
    %reduce_sum3A_575 = vector.multi_reduction <add>, %mul3A_573, %reduce_sum3A_574 [1] : vector<1152x64xf32> to vector<1152xf32>
    %broadcast_in_dim3A_576 = vector.shape_cast %reduce_sum3A_575 : vector<1152xf32> to vector<1152x1xf32>
    %transpose3A_577 = tpu.transpose %broadcast_in_dim3A_576, [1, 0] : vector<1152x1xf32> -> vector<1x1152xf32>
    %add3A_578 = vector.broadcast %transpose3A_577 : vector<1x1152xf32> to vector<1024x1152xf32>
    %add3A_579 = vector.broadcast %broadcast_in_dim3A : vector<1024x1xf32> to vector<1024x1152xf32>
    %add3A_580 = arith.addf %add3A_578, %add3A_579 : vector<1024x1152xf32>
    %mul3A_581 = arith.constant 2.000000e+00 : f32
    %mul3A_582 = vector.broadcast %mul3A_581 : f32 to vector<1024x1152xf32>
    %mul3A_583 = arith.mulf %mul3A_582, %dot_general3A_572 : vector<1024x1152xf32>
    %sub3A_584 = arith.subf %add3A_580, %mul3A_583 : vector<1024x1152xf32>
    %max3A_585 = arith.constant 0.000000e+00 : f32
    %max3A_586 = vector.broadcast %max3A_585 : f32 to vector<1024x1152xf32>
    %max3A_587 = arith.maximumf %sub3A_584, %max3A_586 : vector<1024x1152xf32>
    %reduce_min3A_588 = arith.constant dense<0x7F800000> : vector<1152xf32>
    %reduce_min3A_589 = vector.multi_reduction <minimumf>, %max3A_587, %reduce_min3A_588 [0] : vector<1024x1152xf32> to vector<1152xf32>
    %broadcast_in_dim3A_590 = vector.shape_cast %reduce_min3A_589 : vector<1152xf32> to vector<1x1152xf32>
    %eq3A_591 = vector.broadcast %broadcast_in_dim3A_590 : vector<1x1152xf32> to vector<1024x1152xf32>
    %eq3A_592 = arith.cmpf oeq, %max3A_587, %eq3A_591 : vector<1024x1152xf32>
    %jit3A_593 = arith.constant 1024 : i32
    %broadcast_in_dim3A_594 = vector.broadcast %jit3A_593 : i32 to vector<1024x1152xi32>
    %select_n3A_595 = arith.select %eq3A_592, %iota3A, %broadcast_in_dim3A_594 : vector<1024x1152xi1>, vector<1024x1152xi32>
    %reduce_min3A_596 = arith.constant dense<2147483647> : vector<1152xi32>
    %reduce_min3A_597 = vector.multi_reduction <minsi>, %select_n3A_595, %reduce_min3A_596 [0] : vector<1024x1152xi32> to vector<1152xi32>
    %broadcast_in_dim3A_598 = vector.shape_cast %reduce_min3A_597 : vector<1152xi32> to vector<1x1152xi32>
    %reshape3A_599 = vector.shape_cast %broadcast_in_dim3A_598 : vector<1x1152xi32> to vector<1x1x1152xi32>
    %swap3A_600 = arith.constant 6 : index
    %swap3A_601 = arith.constant 0 : index
    %swap3A_602 = arith.constant 0 : index
    %swap3A_603 = vector.load %arg3[%swap3A_600, %swap3A_601, %swap3A_602] : memref<8x1x1152xi32, #tpu.memory_space<vmem>>, vector<1x1x1152xi32>
    tpu.vector_store %arg3[%swap3A_600, %swap3A_601, %swap3A_602], %reshape3A_599 {strides = array<i32>} : memref<8x1x1152xi32, #tpu.memory_space<vmem>>, vector<1x1x1152xi32>,
    %jit3A_604 = arith.constant 0x7F800000 : f32
    %broadcast_in_dim3A_605 = vector.broadcast %jit3A_604 : f32 to vector<1024x1152xf32>
    %select_n3A_606 = arith.select %eq3A_592, %broadcast_in_dim3A_605, %max3A_587 : vector<1024x1152xi1>, vector<1024x1152xf32>
    %reduce_min3A_607 = arith.constant dense<0x7F800000> : vector<1152xf32>
    %reduce_min3A_608 = vector.multi_reduction <minimumf>, %select_n3A_606, %reduce_min3A_607 [0] : vector<1024x1152xf32> to vector<1152xf32>
    %broadcast_in_dim3A_609 = vector.shape_cast %reduce_min3A_608 : vector<1152xf32> to vector<1x1152xf32>
    %mul3A_610 = arith.constant 1.00000095 : f32
    %mul3A_611 = vector.broadcast %mul3A_610 : f32 to vector<1x1152xf32>
    %mul3A_612 = arith.mulf %broadcast_in_dim3A_590, %mul3A_611 : vector<1x1152xf32>
    %le3A_613 = arith.cmpf ole, %broadcast_in_dim3A_609, %mul3A_612 : vector<1x1152xf32>
    %reduce_or3A_614 = arith.constant 1.000000e+00 : f32
    %reduce_or3A_615 = arith.constant 0.000000e+00 : f32
    %reduce_or3A_616 = vector.broadcast %reduce_or3A_614 : f32 to vector<1x1152xf32>
    %reduce_or3A_617 = vector.broadcast %reduce_or3A_615 : f32 to vector<1x1152xf32>
    %reduce_or3A_618 = arith.select %le3A_613, %reduce_or3A_616, %reduce_or3A_617 : vector<1x1152xi1>, vector<1x1152xf32>
    %reduce_or3A_619 = vector.shape_cast %reduce_or3A_618 : vector<1x1152xf32> to vector<1x1x1152xf32>
    %reduce_or3A_620 = arith.constant dense<0xFF800000> : vector<1xf32>
    %reduce_or3A_621 = vector.multi_reduction <maximumf>, %reduce_or3A_619, %reduce_or3A_620 [1, 2] : vector<1x1x1152xf32> to vector<1xf32>
    %reduce_or3A_622 = vector.shape_cast %reduce_or3A_621 : vector<1xf32> to vector<1x1x1xf32>
    %reduce_or3A_623 = vector.extract %reduce_or3A_622[0, 0, 0] : f32 from vector<1x1x1xf32>
    %reduce_or3A_624 = arith.constant 0.000000e+00 : f32
    %reduce_or3A_625 = arith.cmpf ogt, %reduce_or3A_623, %reduce_or3A_624 : f32
    %convert_element_type3A_626 = arith.extui %reduce_or3A_625 : i1 to i32
    %cond3A_627 = arith.constant 0 : i32
    %cond3A_628 = arith.cmpi ne, %convert_element_type3A_626, %cond3A_627 : i32
    scf.if %cond3A_628 {
      %sqrt3A = math.sqrt %max3A_587 : vector<1024x1152xf32>
      %reduce_min3A_721 = arith.constant dense<0x7F800000> : vector<1152xf32>
      %reduce_min3A_722 = vector.multi_reduction <minimumf>, %sqrt3A, %reduce_min3A_721 [0] : vector<1024x1152xf32> to vector<1152xf32>
      %broadcast_in_dim3A_723 = vector.shape_cast %reduce_min3A_722 : vector<1152xf32> to vector<1x1152xf32>
      %eq3A_724 = vector.broadcast %broadcast_in_dim3A_723 : vector<1x1152xf32> to vector<1024x1152xf32>
      %eq3A_725 = arith.cmpf oeq, %sqrt3A, %eq3A_724 : vector<1024x1152xf32>
      %jit3A_726 = arith.constant 1024 : i32
      %broadcast_in_dim3A_727 = vector.broadcast %jit3A_726 : i32 to vector<1024x1152xi32>
      %select_n3A_728 = arith.select %eq3A_725, %iota3A, %broadcast_in_dim3A_727 : vector<1024x1152xi1>, vector<1024x1152xi32>
      %reduce_min3A_729 = arith.constant dense<2147483647> : vector<1152xi32>
      %reduce_min3A_730 = vector.multi_reduction <minsi>, %select_n3A_728, %reduce_min3A_729 [0] : vector<1024x1152xi32> to vector<1152xi32>
      %broadcast_in_dim3A_731 = vector.shape_cast %reduce_min3A_730 : vector<1152xi32> to vector<1x1152xi32>
      %reshape3A_732 = vector.shape_cast %broadcast_in_dim3A_731 : vector<1x1152xi32> to vector<1x1x1152xi32>
      %swap3A_733 = arith.constant 6 : index
      %swap3A_734 = arith.constant 0 : index
      %swap3A_735 = arith.constant 0 : index
      %swap3A_736 = vector.load %arg3[%swap3A_733, %swap3A_734, %swap3A_735] : memref<8x1x1152xi32, #tpu.memory_space<vmem>>, vector<1x1x1152xi32>
      tpu.vector_store %arg3[%swap3A_733, %swap3A_734, %swap3A_735], %reshape3A_732 {strides = array<i32>} : memref<8x1x1152xi32, #tpu.memory_space<vmem>>, vector<1x1x1152xi32>,
    } else {
    }
    %reduce_sum3A_629 = vector.shape_cast %broadcast_in_dim3A_590 : vector<1x1152xf32> to vector<1x1x1152xf32>
    %reduce_sum3A_630 = arith.constant dense<0.000000e+00> : vector<1xf32>
    %reduce_sum3A_631 = vector.multi_reduction <add>, %reduce_sum3A_629, %reduce_sum3A_630 [1, 2] : vector<1x1x1152xf32> to vector<1xf32>
    %reduce_sum3A_632 = vector.shape_cast %reduce_sum3A_631 : vector<1xf32> to vector<1x1x1xf32>
    %reduce_sum3A_633 = vector.extract %reduce_sum3A_632[0, 0, 0] : f32 from vector<1x1x1xf32>
    %add3A_634 = arith.addf %add3A_543, %reduce_sum3A_633 : f32
    %dma_wait3A_635 = arith.constant 1 : i32
    %dma_wait3A_636 = arith.constant 1 : i32
    %dma_wait3A_637 = tpu.memref_slice %arg7[%dma_wait3A_636] : memref<2x!tpu.dma_semaphore, #tpu.memory_space<semaphore_mem>> -> memref<1x!tpu.dma_semaphore, #tpu.memory_space<semaphore_mem>>
    %dma_wait3A_638 = tpu.memref_squeeze %dma_wait3A_637 : memref<1x!tpu.dma_semaphore, #tpu.memory_space<semaphore_mem>> -> memref<!tpu.dma_semaphore, #tpu.memory_space<semaphore_mem>>
    %dma_wait3A_639 = arith.constant 0 : i32
    %dma_wait3A_640 = arith.constant 0 : i32
    %dma_wait3A_641 = tpu.memref_slice %arg5[%dma_wait3A_635, %dma_wait3A_639, %dma_wait3A_640] : memref<2x1152x64xf32, #tpu.memory_space<vmem>> -> memref<1x1152x64xf32, #tpu.memory_space<vmem>>
    %dma_wait3A_642 = tpu.memref_squeeze %dma_wait3A_641 : memref<1x1152x64xf32, #tpu.memory_space<vmem>> -> memref<1152x64xf32, #tpu.memory_space<vmem>>
    %dma_wait3A_643 = arith.constant 8064 : i32
    %dma_wait3A_644 = arith.constant 0 : i32
    %dma_wait3A_645 = tpu.memref_slice %arg1[%dma_wait3A_643, %dma_wait3A_644] : memref<9216x64xf32, #tpu.memory_space<any>> -> memref<1152x64xf32, #tpu.memory_space<any>>
    tpu.wait_dma2 semaphore(%dma_wait3A_638 : memref<!tpu.dma_semaphore, #tpu.memory_space<semaphore_mem>>) src(%dma_wait3A_645 : memref<1152x64xf32, #tpu.memory_space<any>>) dst(%dma_wait3A_642 : memref<1152x64xf32, #tpu.memory_space<vmem>>)
    %get3A_646 = arith.constant 1 : index
    %get3A_647 = arith.constant 0 : index
    %get3A_648 = arith.constant 0 : index
    %get3A_649 = vector.load %arg5[%get3A_646, %get3A_647, %get3A_648] : memref<2x1152x64xf32, #tpu.memory_space<vmem>>, vector<1x1152x64xf32>
    %get3A_650 = vector.shape_cast %get3A_649 : vector<1x1152x64xf32> to vector<1152x64xf32>
    %dot_general3A_651 = arith.constant dense<0.000000e+00> : vector<1024x1152xf32>
    %dot_general3A_652 = tpu.matmul %get3A_11, %get3A_650, %dot_general3A_651 {dimension_numbers = #tpu.dot_dimension_numbers<[1], [1], [0], [0], [0, 0, 1, 0], [], []>, transpose_lhs_hint = false} : vector<1024x64xf32>, vector<1152x64xf32>, vector<1024x1152xf32> -> vector<1024x1152xf32>
    %mul3A_653 = arith.mulf %get3A_650, %get3A_650 : vector<1152x64xf32>
    %reduce_sum3A_654 = arith.constant dense<0.000000e+00> : vector<1152xf32>
    %reduce_sum3A_655 = vector.multi_reduction <add>, %mul3A_653, %reduce_sum3A_654 [1] : vector<1152x64xf32> to vector<1152xf32>
    %broadcast_in_dim3A_656 = vector.shape_cast %reduce_sum3A_655 : vector<1152xf32> to vector<1152x1xf32>
    %transpose3A_657 = tpu.transpose %broadcast_in_dim3A_656, [1, 0] : vector<1152x1xf32> -> vector<1x1152xf32>
    %add3A_658 = vector.broadcast %transpose3A_657 : vector<1x1152xf32> to vector<1024x1152xf32>
    %add3A_659 = vector.broadcast %broadcast_in_dim3A : vector<1024x1xf32> to vector<1024x1152xf32>
    %add3A_660 = arith.addf %add3A_658, %add3A_659 : vector<1024x1152xf32>
    %mul3A_661 = arith.constant 2.000000e+00 : f32
    %mul3A_662 = vector.broadcast %mul3A_661 : f32 to vector<1024x1152xf32>
    %mul3A_663 = arith.mulf %mul3A_662, %dot_general3A_652 : vector<1024x1152xf32>
    %sub3A_664 = arith.subf %add3A_660, %mul3A_663 : vector<1024x1152xf32>
    %max3A_665 = arith.constant 0.000000e+00 : f32
    %max3A_666 = vector.broadcast %max3A_665 : f32 to vector<1024x1152xf32>
    %max3A_667 = arith.maximumf %sub3A_664, %max3A_666 : vector<1024x1152xf32>
    %reduce_min3A_668 = arith.constant dense<0x7F800000> : vector<1152xf32>
    %reduce_min3A_669 = vector.multi_reduction <minimumf>, %max3A_667, %reduce_min3A_668 [0] : vector<1024x1152xf32> to vector<1152xf32>
    %broadcast_in_dim3A_670 = vector.shape_cast %reduce_min3A_669 : vector<1152xf32> to vector<1x1152xf32>
    %eq3A_671 = vector.broadcast %broadcast_in_dim3A_670 : vector<1x1152xf32> to vector<1024x1152xf32>
    %eq3A_672 = arith.cmpf oeq, %max3A_667, %eq3A_671 : vector<1024x1152xf32>
    %jit3A_673 = arith.constant 1024 : i32
    %broadcast_in_dim3A_674 = vector.broadcast %jit3A_673 : i32 to vector<1024x1152xi32>
    %select_n3A_675 = arith.select %eq3A_672, %iota3A, %broadcast_in_dim3A_674 : vector<1024x1152xi1>, vector<1024x1152xi32>
    %reduce_min3A_676 = arith.constant dense<2147483647> : vector<1152xi32>
    %reduce_min3A_677 = vector.multi_reduction <minsi>, %select_n3A_675, %reduce_min3A_676 [0] : vector<1024x1152xi32> to vector<1152xi32>
    %broadcast_in_dim3A_678 = vector.shape_cast %reduce_min3A_677 : vector<1152xi32> to vector<1x1152xi32>
    %reshape3A_679 = vector.shape_cast %broadcast_in_dim3A_678 : vector<1x1152xi32> to vector<1x1x1152xi32>
    %swap3A_680 = arith.constant 7 : index
    %swap3A_681 = arith.constant 0 : index
    %swap3A_682 = arith.constant 0 : index
    %swap3A_683 = vector.load %arg3[%swap3A_680, %swap3A_681, %swap3A_682] : memref<8x1x1152xi32, #tpu.memory_space<vmem>>, vector<1x1x1152xi32>
    tpu.vector_store %arg3[%swap3A_680, %swap3A_681, %swap3A_682], %reshape3A_679 {strides = array<i32>} : memref<8x1x1152xi32, #tpu.memory_space<vmem>>, vector<1x1x1152xi32>,
    %jit3A_684 = arith.constant 0x7F800000 : f32
    %broadcast_in_dim3A_685 = vector.broadcast %jit3A_684 : f32 to vector<1024x1152xf32>
    %select_n3A_686 = arith.select %eq3A_672, %broadcast_in_dim3A_685, %max3A_667 : vector<1024x1152xi1>, vector<1024x1152xf32>
    %reduce_min3A_687 = arith.constant dense<0x7F800000> : vector<1152xf32>
    %reduce_min3A_688 = vector.multi_reduction <minimumf>, %select_n3A_686, %reduce_min3A_687 [0] : vector<1024x1152xf32> to vector<1152xf32>
    %broadcast_in_dim3A_689 = vector.shape_cast %reduce_min3A_688 : vector<1152xf32> to vector<1x1152xf32>
    %mul3A_690 = arith.constant 1.00000095 : f32
    %mul3A_691 = vector.broadcast %mul3A_690 : f32 to vector<1x1152xf32>
    %mul3A_692 = arith.mulf %broadcast_in_dim3A_670, %mul3A_691 : vector<1x1152xf32>
    %le3A_693 = arith.cmpf ole, %broadcast_in_dim3A_689, %mul3A_692 : vector<1x1152xf32>
    %reduce_or3A_694 = arith.constant 1.000000e+00 : f32
    %reduce_or3A_695 = arith.constant 0.000000e+00 : f32
    %reduce_or3A_696 = vector.broadcast %reduce_or3A_694 : f32 to vector<1x1152xf32>
    %reduce_or3A_697 = vector.broadcast %reduce_or3A_695 : f32 to vector<1x1152xf32>
    %reduce_or3A_698 = arith.select %le3A_693, %reduce_or3A_696, %reduce_or3A_697 : vector<1x1152xi1>, vector<1x1152xf32>
    %reduce_or3A_699 = vector.shape_cast %reduce_or3A_698 : vector<1x1152xf32> to vector<1x1x1152xf32>
    %reduce_or3A_700 = arith.constant dense<0xFF800000> : vector<1xf32>
    %reduce_or3A_701 = vector.multi_reduction <maximumf>, %reduce_or3A_699, %reduce_or3A_700 [1, 2] : vector<1x1x1152xf32> to vector<1xf32>
    %reduce_or3A_702 = vector.shape_cast %reduce_or3A_701 : vector<1xf32> to vector<1x1x1xf32>
    %reduce_or3A_703 = vector.extract %reduce_or3A_702[0, 0, 0] : f32 from vector<1x1x1xf32>
    %reduce_or3A_704 = arith.constant 0.000000e+00 : f32
    %reduce_or3A_705 = arith.cmpf ogt, %reduce_or3A_703, %reduce_or3A_704 : f32
    %convert_element_type3A_706 = arith.extui %reduce_or3A_705 : i1 to i32
    %cond3A_707 = arith.constant 0 : i32
    %cond3A_708 = arith.cmpi ne, %convert_element_type3A_706, %cond3A_707 : i32
    scf.if %cond3A_708 {
      %sqrt3A = math.sqrt %max3A_667 : vector<1024x1152xf32>
      %reduce_min3A_721 = arith.constant dense<0x7F800000> : vector<1152xf32>
      %reduce_min3A_722 = vector.multi_reduction <minimumf>, %sqrt3A, %reduce_min3A_721 [0] : vector<1024x1152xf32> to vector<1152xf32>
      %broadcast_in_dim3A_723 = vector.shape_cast %reduce_min3A_722 : vector<1152xf32> to vector<1x1152xf32>
      %eq3A_724 = vector.broadcast %broadcast_in_dim3A_723 : vector<1x1152xf32> to vector<1024x1152xf32>
      %eq3A_725 = arith.cmpf oeq, %sqrt3A, %eq3A_724 : vector<1024x1152xf32>
      %jit3A_726 = arith.constant 1024 : i32
      %broadcast_in_dim3A_727 = vector.broadcast %jit3A_726 : i32 to vector<1024x1152xi32>
      %select_n3A_728 = arith.select %eq3A_725, %iota3A, %broadcast_in_dim3A_727 : vector<1024x1152xi1>, vector<1024x1152xi32>
      %reduce_min3A_729 = arith.constant dense<2147483647> : vector<1152xi32>
      %reduce_min3A_730 = vector.multi_reduction <minsi>, %select_n3A_728, %reduce_min3A_729 [0] : vector<1024x1152xi32> to vector<1152xi32>
      %broadcast_in_dim3A_731 = vector.shape_cast %reduce_min3A_730 : vector<1152xi32> to vector<1x1152xi32>
      %reshape3A_732 = vector.shape_cast %broadcast_in_dim3A_731 : vector<1x1152xi32> to vector<1x1x1152xi32>
      %swap3A_733 = arith.constant 7 : index
      %swap3A_734 = arith.constant 0 : index
      %swap3A_735 = arith.constant 0 : index
      %swap3A_736 = vector.load %arg3[%swap3A_733, %swap3A_734, %swap3A_735] : memref<8x1x1152xi32, #tpu.memory_space<vmem>>, vector<1x1x1152xi32>
      tpu.vector_store %arg3[%swap3A_733, %swap3A_734, %swap3A_735], %reshape3A_732 {strides = array<i32>} : memref<8x1x1152xi32, #tpu.memory_space<vmem>>, vector<1x1x1152xi32>,
    } else {
    }
    %reduce_sum3A_709 = vector.shape_cast %broadcast_in_dim3A_670 : vector<1x1152xf32> to vector<1x1x1152xf32>
    %reduce_sum3A_710 = arith.constant dense<0.000000e+00> : vector<1xf32>
    %reduce_sum3A_711 = vector.multi_reduction <add>, %reduce_sum3A_709, %reduce_sum3A_710 [1, 2] : vector<1x1x1152xf32> to vector<1xf32>
    %reduce_sum3A_712 = vector.shape_cast %reduce_sum3A_711 : vector<1xf32> to vector<1x1x1xf32>
    %reduce_sum3A_713 = vector.extract %reduce_sum3A_712[0, 0, 0] : f32 from vector<1x1x1xf32>
    %add3A_714 = arith.addf %add3A_634, %reduce_sum3A_713 : f32
    %mul3A_715 = arith.constant 2.11927636E-6 : f32
    %mul3A_716 = arith.mulf %add3A_714, %mul3A_715 : f32
    %reshape3A_717 = vector.broadcast %mul3A_716 : f32 to vector<1x1xf32>
    %swap3A_718 = arith.constant 0 : index
    %swap3A_719 = arith.constant 0 : index
    %swap3A_720 = vector.load %arg4[%swap3A_718, %swap3A_719] : memref<1x1xf32, #tpu.memory_space<vmem>>, vector<1x1xf32>
    tpu.vector_store %arg4[%swap3A_718, %swap3A_719], %reshape3A_717 {strides = array<i32>} : memref<1x1xf32, #tpu.memory_space<vmem>>, vector<1x1xf32>,
    return
  }
  func.func @transform_2(%arg0: i32) -> (i32, i32, i32) {
    %c0_i32 = arith.constant 0 : i32
    %c0_i32_0 = arith.constant 0 : i32
    %c0_i32_1 = arith.constant 0 : i32
    %c0_i32_2 = arith.constant 0 : i32
    return %c0_i32, %c0_i32_0, %c0_i32_1 : i32, i32, i32
  }
  func.func @transform_3(%arg0: i32) -> (i32, i32) {
    %c0_i32 = arith.constant 0 : i32
    %c0_i32_0 = arith.constant 0 : i32
    %c0_i32_1 = arith.constant 0 : i32
    return %c0_i32, %c0_i32_0 : i32, i32
  }
}

</mosaic_0001>

<sc_bundles>
// kernel: kernel.4.cloned.1.call-start
scs
__scs_entry_jumppad:
0x0: {  	(pc) =	sbr.rel $0x88, $3  }
0x1: {  	(tag) =	ssettag $0x0;
	lr =	simm.s32 $0x1  }
0x2: {  	[smem:$0x3F9F] =	sst lr;
	_ =	strace $0xD0000000  }
0x3: {  	_ = 	snop  }
0x4: {  	_ = 	snop  }
0x5: {  	_ = 	snop  }
0x6: {  	_ = 	snop  }
0x7: {  	_ = 	snop  }
__scs_overlays_trampoline_lowered:
0x8: {  	[smem:$0x3FAE] =	sst s0  }
0x9: {  	[smem:$0x3FAF] =	sst s1  }
0xa: {  	[smem:$0x3FB0] =	sst s2  }
0xb: {  	[smem:$0x3FB1] =	sst s3  }
0xc: {  	[smem:$0x3FB2] =	sst s4  }
0xd: {  	[smem:$0x3FB3] =	sst s5  }
0xe: {  	[smem:$0x3FB4] =	sst s6  }
0xf: {  	[smem:$0x3FB5] =	sst s7  }
0x10: {  	[smem:$0x3FB6] =	sst s8  }
0x11: {  	[smem:$0x3FB7] =	sst s9;
	s0 =	simm.s32 @!p0 $0x0  }
0x12: {  	s1 =	sld [smem:$0x3F9D];
	s0 =	simm.s32 @p0 $0x1  }
0x13: {  	[smem:$0x3FB8] =	sst s0;
	s0 =	simm.s32 @!p1 $0x0  }
0x14: {  	s2 =	sld [smem:$0x3F9C];
	s0 =	simm.s32 @p1 $0x1  }
0x15: {  	[smem:$0x3FB9] =	sst s0;
	s0 =	simm.s32 @!p2 $0x0  }
0x16: {  	s3 =	sld [smem:$0x3FDB];
	s0 =	simm.s32 @p2 $0x1  }
0x17: {  	s4 =	simm.s32 $0x1BF5;
	[smem:$0x3FBB] =	sst s0  }
0x18: {  	s0 =	sld [smem:$0x3F9E];
	_ =	swait.ge [sflag:s4], $0x0  }
0x19: {  	s7 =	sld [smem:$0x3F9F]  }
0x1a: {  	s8 =	sadd.s32 $0xFFFFE003, lr  }
0x1b: {  	s9 =	sadd.s32 $0xFFFFFEF7, lr;
	s5 =	simm.s32 $0xFFFFFFFF;
	p2 =	slt.u32 s8, $0xFFFFF086  }
0x1c: {  	p1 =	slt.u32 s9, $0xF7A;
	s5 =	simm.s32 @!p2 $0x0  }
0x1d: {  	s5 =	simm.s32 @p1 $0x1;
	p0 =	seq.s32 s7, s2  }
0x1e: {  	s7 =	smul.u32 @!p0 $0xF7A, s2;
	p2 =	seq.s32 @!p0 s5, $0x0  }
0x1f: {  	s9 =	smul.u32 $0xF7A, s1;
	s8 =	simm.s32 @!p0 $0x1BF5;
	p2 =	por !p2, p0  }
0x20: {  	[sflag:s8] =	ssyncset.s32 @!p0 $0xFFFFF086;
	s6 =	sadd.s32 @!p0 s3, s7;
	s7 =	simm.s32 @!p0 $0x108  }
0x21: {  	s3 =	sadd.s32 s3, s9;
	s6 =	sadd.s32 @!p0 $0x88, s6;
	s7 =	simm.s32 @p2 $0x1082  }
0x22: {  	[simem:s7], [sflag:s8] =	dma.local @!p0 [hbm:s6], $0xF7A  }
0x23: {  	s9 =	sor.u32 $0xD0000000, s2;
	s6 =	simm.s32 $0x108;
	_ =	swait.ge @!p0 [sflag:s8], $0x0  }
0x24: {  	s3 =	sadd.s32 $0x88, s3;
	s6 =	simm.s32 @!p1 $0x1082;
	[sflag:s4] =	ssyncset.s32 $0xFFFFF086  }
0x25: {  	[simem:s6], [sflag:s4] =	dma.local [hbm:s3], $0xF7A  }
0x26: {  	[smem:$0x3F9F] =	sst s1;
	(tag) =	ssettag s2;
	_ =	strace s9  }
0x27: {  	s1 =	sld [smem:$0x3FAF]  }
0x28: {  	s2 =	sld [smem:$0x3FB0]  }
0x29: {  	s4 =	sld [smem:$0x3FB2]  }
0x2a: {  	p0 =	seq.s32 s5, $0x0;
	s5 =	sld [smem:$0x3FB3]  }
0x2b: {  	s6 =	sld [smem:$0x3FB4]  }
0x2c: {  	s7 =	sld [smem:$0x3FB5]  }
0x2d: {  	s3 =	simm.s32 $0x108;
	s8 =	sld [smem:$0x3FB6]  }
0x2e: {  	s3 =	simm.s32 @!p0 $0x1082;
	s9 =	sld [smem:$0x3FB7]  }
0x2f: {  	lr =	sadd.s32 s0, s3;
	s0 =	sld [smem:$0x3FAE]  }
0x30: {  	s3 =	sld [smem:$0x3FB1]  }
0x31: {  	[smem:$0x3FBA] =	sst s10  }
0x32: {  	s10 =	sld [smem:$0x3FB8];
	_ =	sdelay $0x3  }
0x33: {  	p0 =	seq.s32 s10, $0x1;
	s10 =	sld [smem:$0x3FBA];
	_ =	sdelay $0x3  }
0x34: {  	[smem:$0x3FBA] =	sst s10  }
0x35: {  	s10 =	sld [smem:$0x3FB9];
	_ =	sdelay $0x3  }
0x36: {  	p1 =	seq.s32 s10, $0x1;
	s10 =	sld [smem:$0x3FBA];
	_ =	sdelay $0x3  }
0x37: {  	[smem:$0x3FBA] =	sst s10  }
0x38: {  	s10 =	sld [smem:$0x3FBB]  }
0x39: {  	_ = 	snop;
	(pc) =	sbr.ind lr, $3  }
0x3a: {  	_ = 	snop  }
0x3b: {  	_ = 	snop  }
0x3c: {  	p2 =	seq.s32 s10, $0x1;
	s10 =	sld [smem:$0x3FBA]  }
0x3d: {  	_ =	shalt  }
0x3e: {  	_ =	shalt  }
0x3f: {  	_ =	shalt  }
0x40: {  	_ =	shalt  }
0x41: {  	_ =	shalt  }
0x42: {  	_ =	shalt  }
0x43: {  	_ =	shalt  }
0x44: {  	_ =	shalt  }
0x45: {  	_ =	shalt  }
0x46: {  	_ =	shalt  }
0x47: {  	_ =	shalt  }
0x48: {  	_ =	shalt  }
0x49: {  	_ =	shalt  }
0x4a: {  	_ =	shalt  }
0x4b: {  	_ =	shalt  }
0x4c: {  	_ =	shalt  }
0x4d: {  	_ =	shalt  }
0x4e: {  	_ =	shalt  }
0x4f: {  	_ =	shalt  }
0x50: {  	_ =	shalt  }
0x51: {  	_ =	shalt  }
0x52: {  	_ =	shalt  }
0x53: {  	_ =	shalt  }
0x54: {  	_ =	shalt  }
0x55: {  	_ =	shalt  }
0x56: {  	_ =	shalt  }
0x57: {  	_ =	shalt  }
0x58: {  	_ =	shalt  }
0x59: {  	_ =	shalt  }
0x5a: {  	_ =	shalt  }
0x5b: {  	_ =	shalt  }
0x5c: {  	_ =	shalt  }
0x5d: {  	_ =	shalt  }
0x5e: {  	_ =	shalt  }
0x5f: {  	_ =	shalt  }
0x60: {  	_ =	shalt  }
0x61: {  	_ =	shalt  }
0x62: {  	_ =	shalt  }
0x63: {  	_ =	shalt  }
0x64: {  	_ =	shalt  }
0x65: {  	_ =	shalt  }
0x66: {  	_ =	shalt  }
0x67: {  	_ =	shalt  }
0x68: {  	_ =	shalt  }
0x69: {  	_ =	shalt  }
0x6a: {  	_ =	shalt  }
0x6b: {  	_ =	shalt  }
0x6c: {  	_ =	shalt  }
0x6d: {  	_ =	shalt  }
0x6e: {  	_ =	shalt  }
0x6f: {  	_ =	shalt  }
0x70: {  	_ =	shalt  }
0x71: {  	_ =	shalt  }
0x72: {  	_ =	shalt  }
0x73: {  	_ =	shalt  }
0x74: {  	_ =	shalt  }
0x75: {  	_ =	shalt  }
0x76: {  	_ =	shalt  }
0x77: {  	_ =	shalt  }
0x78: {  	_ =	shalt  }
0x79: {  	_ =	shalt  }
0x7a: {  	_ =	shalt  }
0x7b: {  	_ =	shalt  }
0x7c: {  	_ =	shalt  }
0x7d: {  	_ =	shalt  }
0x7e: {  	_ =	shalt  }
0x7f: {  	_ =	shalt  }
0x80: {  	_ =	shalt  }
0x81: {  	_ =	shalt  }
0x82: {  	_ =	shalt  }
0x83: {  	_ =	shalt  }
0x84: {  	_ =	shalt  }
0x85: {  	_ =	shalt  }
0x86: {  	_ =	shalt  }
0x87: {  	_ =	shalt  }
.Lfunc_end0:
.L_simem_size_0:
called_computation_lowered:
.L_overlay_start_0:
0x88: {  	s2 =	sld [smem:$0x3FD9]  }
0x89: {  	s3 =	sld [smem:$0x3FFE];
	_ =	sdelay $0x1  }
0x8a: {  	s1 =	srdreg.scid  }
0x8b: {  	s0 =	sand.u32 $0x1, s1  }
0x8c: {  	s14 =	sshll.u32 s0, $0xA;
	s2 =	sadd.s32 s3, s2  }
0x8d: {  	s2 =	sadd.s32 s2, s14  }
0x8e: {  	[smem:$0x3FC6] =	sst s2  }
0x8f: {  	_ = 	snop  }
0x90: {  	s2 =	sld [smem:$0x3FD0];
	_ =	sdelay $0x2  }
0x91: {  	s15 =	simm.s32 $0xA;
	s4 =	simm.s32 $0x10  }
0x92: {  	[smem:s4], [sflag:s15] =	dma.local [hbm:s2], $0x1  }
0x93: {  	_ =	swait.eq [sflag:s15], $0x1  }
0x94: {  	[sflag:s15] =	ssyncset.done $0x0  }
0x95: {  	s16 =	sld [smem:$0x10];
	[sflag:s15] =	ssyncadd.s32 $0xFFFFFFFF  }
0x96: {  	s17 =	sld [smem:$0x12];
	(tm) =	ssettm $0x1  }
0x97: {  	s18 =	sld [smem:$0x3FFB];
	_ =	sdelay $0x3  }
0x98: {  	_ =	strace s18  }
0x99: {  	s4 =	sld [smem:$0x3FFC];
	_ =	sdelay $0x3  }
0x9a: {  	_ =	strace s4  }
0x9b: {  	s4 =	sld [smem:$0x3FFD];
	_ =	sdelay $0x3  }
0x9c: {  	_ =	strace s4  }
0x9d: {  	_ =	strace $0x8FFFFFFF  }
0x9e: {  	s19 =	sld [smem:$0x3FDB];
	_ =	sdelay $0x1  }
0x9f: {  	s5 =	simm.s32 $_scs_section_size  }
0xa0: {  	s6 =	simm.s32 $_size__tile_overlayer_lowered;
	s7 =	simm.s32 $_tile_overlayer_lowered  }
0xa1: {  	s22 =	simm.s32 $0x1BFF;
	s21 =	sshll.u32 s7, $0x1;
	s4 =	sadd.s32 s5, s19  }
0xa2: {  	s8 =	simm.s32 $0x0;
	s20 =	sshll.u32 s6, $0x1;
	s6 =	sadd.s32 s21, s4  }
0xa3: {  	[timem:s8], [sflag:s22] =	dma.local [hbm:s6], s20  }
0xa4: {  	_ =	swait.ge [sflag:s22], s20  }
0xa5: {  	s5 =	ssub.s32 $0x0, s20;
	[sflag:s22] =	ssyncset.done $0x0  }
0xa6: {  	[sflag:s22] =	ssyncadd.s32 s5;
	_ =	sdelay $0x1  }
0xa7: {  	s23 =	simm.s32 $0x1B8B  }
0xa8: {  	_ =	swait.ge [sflag:s23], $0x1  }
0xa9: {  	[sflag:s23] =	ssyncset.done $0x0  }
0xaa: {  	s25 =	simm.s32 $0x1B8E;
	s24 =	sld [smem:$0x3FFE];
	[sflag:s23] =	ssyncadd.s32 $0xFFFFFFFF  }
0xab: {  	s26 =	simm.s32 $execute0_lowered;
	[smem:$0x3FD2] =	sst s25  }
0xac: {  	s6 =	sshll.u32 s26, $0x1;
	_ =	strace $0x80000046;
	[dreg:$0x1] =	wrdreg $0xFFFFFFFF  }
0xad: {  	s28 =	simm.s32 $_size_execute0_lowered;
	s4 =	sadd.s32 s4, s6;
	[dreg:$0x0] =	wrdreg $0x0  }
0xae: {  	s6 =	sshll.u32 s28, $0x1;
	[dreg:$0x2] =	wrdreg s4  }
0xaf: {  	[dreg:$0x3] =	wrdreg s6  }
0xb0: {  	[dreg:$0x4] =	wrdreg $0xC0  }
0xb1: {  	_ =	task [dreg:s8], $0x5FFFF  }
0xb2: {  	[dreg:$0x1] =	wrdreg $0xFFFFFFFF  }
0xb3: {  	[dreg:$0x0] =	wrdreg $0x60  }
0xb4: {  	[dreg:$0x2] =	wrdreg s16  }
0xb5: {  	[dreg:$0x3] =	wrdreg s24  }
0xb6: {  	[dreg:$0x4] =	wrdreg s17  }
0xb7: {  	[dreg:$0x5] =	wrdreg $0x9  }
0xb8: {  	_ =	task.clear_ibuf [dreg:s8], $0x6FFFF;
	_ =	strace $0x90000046  }
0xb9: {  	s29 =	simm.s32 $0x9;
	_ =	strace $0x80000048  }
0xba: {  	_ =	swait.ge [sflag:s29], $0x1  }
0xbb: {  	[sflag:s29] =	ssyncadd.s32 $0xFFFFFFFF  }
0xbc: {  	_ =	strace $0x90000048  }
0xbd: {  	_ =	sfence  }
0xbe: {  	s30 =	sld [smem:$0x0];
	_ =	sdelay $0x2  }
0xbf: {  	s31 =	sshll.u32 s1, $0xD;
	s1 =	sshrl.u32 s1, $0x2  }
0xc0: {  	s3 =	sand.u32 $0x4000, s31;
	s1 =	sadd.s32 s1, s30  }
0xc1: {  	s0 =	sor.u32 s3, s0;
	s1 =	sshll.u32 s1, $0x11  }
0xc2: {  	s0 =	sor.u32 s1, s0  }
0xc3: {  	s0 =	sadd.s32 $0x8F2B, s0  }
0xc4: {  	[sflag:s0] =	ssyncadd.remote.s32 $0x1  }
0xc5: {  	_ =	sfence.sel $0xFFFF  }
0xc6: {  	[dreg:$0x0] =	wrdreg $0xFFFFFFFF;
	(pc) =	sbr.abs _section_cstart, $3  }
0xc7: {  	[dreg:$0x1] =	wrdreg $0xFFFFFFFF  }
0xc8: {  	_ =	task.clear_ibuf [dreg:s8], $0x2FFFF;
	_ =	strace $0x9FFFFFFF  }
0xc9: {  	(tm) =	ssettm $0x7FFFFFFF  }
tec
execute0_lowered:
.L_overlay_start_1:
0x0: {  	(tag) =	ssettag $0x1  }
0x1: {  	s2 =	srdreg.scid;
	s0 =	stileid.u32  }
0x2: {  	s1 =	rddreg [dreg:$0x0];
	s21 =	sand.u32 $0x1, s2;
	s28 =	sshll.u32 s0, $0x1  }
0x3: {  	s16 =	rddreg [dreg:$0x1];
	s17 =	sor.u32 s21, s28  }
0x4: {  	s14 =	rddreg [dreg:$0x2];
	s3 =	simm.s32 $0x0;
	s4 =	sshll.u32 s17, $0x6  }
0x5: {  	s5 =	simm.s32 $0x4;
	[smem:$0x7FF] =	sst s3;
	s4 =	sadd.s32 s4, s16  }
0x6: {  	s2 =	rddreg [dreg:$0x3];
	_ =	strace $0x80000047;
	s4 =	sadd.s32 $0x600, s4  }
0x7: {  	[tilespmem:s3], [sflag:$0x4] =	stream.linear.gather [hbm4b:s4+s3], $0x180, $0x38;
	[tilespmem:$0x9200] =	vst v63  }
0x8: {  	_ =	swait.ge [sflag:s5], $0x180  }
0x9: {  	s6 =	simm.s32 $0x60;
	[sflag:s5] =	ssyncset.done $0x0  }
0xa: {  	s7 =	simm.s32 $0x200;
	s8 =	simm.s32 $0x80;
	[sflag:s5] =	ssyncadd.s32 $0xFFFFFE80  }
0xb: {  	[tilespmem:s7], [sflag:$0x1] =	stream.indirect.gather [hbm4b:s1+s6], $0x80, s3, s6, $0xb8;
	[tilespmem:$0x9200] =	vst v63  }
0xc: {  	s9 =	simm.s32 $0x3200;
	s10 =	simm.s32 $0x100;
	s13 =	smul.u32 $0x120, s17  }
0xd: {  	[tilespmem:s9], [sflag:$0x1] =	stream.indirect.gather [hbm4b:s1+s6], $0x80, s8, s6, $0xb8;
	[tilespmem:$0x9200] =	vst v63  }
0xe: {  	s11 =	simm.s32 $0x6200;
	s12 =	sshrl.u32 s13, $0x3;
	s18 =	sadd.s32 $0x60, s13  }
0xf: {  	[tilespmem:s11], [sflag:$0x1] =	stream.indirect.gather [hbm4b:s1+s6], $0x80, s10, s6, $0xb8;
	[tilespmem:$0x9200] =	vst v63  }
0x10: {  	s19 =	sadd.s32 $0xC0, s13;
	s12 =	sadd.s32 s14, s12;
	s15 =	sshrl.u32 s18, $0x3  }
0x11: {  	[hbm4b:s12+s3] =	stream.linear.scatter [tilespmem:s3], [sflag:$0x2], $0x60, $0x38;
	[tilespmem:$0x9200] =	vst v63  }
0x12: {  	s29 =	sshrl.u32 s19, $0x3;
	s13 =	sadd.s32 s14, s15  }
0x13: {  	[hbm4b:s13+s3] =	stream.linear.scatter [tilespmem:s8], [sflag:$0x2], $0x60, $0x38;
	[tilespmem:$0x9200] =	vst v63  }
0x14: {  	s14 =	sadd.s32 s14, s29;
	s15 =	simm.s32 $0x1  }
0x15: {  	[hbm4b:s14+s3] =	stream.linear.scatter [tilespmem:s10], [sflag:$0x2], $0x60, $0x38;
	[tilespmem:$0x9200] =	vst v63  }
0x16: {  	s17 =	smul.u32 $0x1200, s17;
	_ =	swait.ge [sflag:s15], $0x3000  }
0x17: {  	s20 =	sadd.s32 $0xE00, s16;
	[sflag:s15] =	ssyncset.done $0x0  }
0x18: {  	s16 =	sadd.s32 s20, s17;
	[sflag:s15] =	ssyncadd.s32 $0xFFFFD000  }
0x19: {  	[hbm4b:s16+s3] =	stream.linear.scatter [tilespmem:s7], [sflag:$0x3], $0x3000, $0x38;
	[tilespmem:$0x9200] =	vst v63  }
0x1a: {  	_ =	swait.ge [sflag:s15], $0x3000  }
0x1b: {  	s30 =	sshll.u32 s18, $0x4;
	[sflag:s15] =	ssyncset.done $0x0  }
0x1c: {  	s17 =	sadd.s32 s20, s30;
	[sflag:s15] =	ssyncadd.s32 $0xFFFFD000  }
0x1d: {  	[hbm4b:s17+s3] =	stream.linear.scatter [tilespmem:s9], [sflag:$0x3], $0x3000, $0x38;
	[tilespmem:$0x9200] =	vst v63  }
0x1e: {  	_ =	swait.ge [sflag:s15], $0x3000  }
0x1f: {  	s31 =	sshll.u32 s19, $0x4;
	[sflag:s15] =	ssyncset.done $0x0  }
0x20: {  	s19 =	simm.s32 $0x2;
	s18 =	sadd.s32 s20, s31;
	[sflag:s15] =	ssyncadd.s32 $0xFFFFD000  }
0x21: {  	[hbm4b:s18+s3] =	stream.linear.scatter [tilespmem:s11], [sflag:$0x3], $0x3000, $0x38;
	[tilespmem:$0x9200] =	vst v63  }
0x22: {  	_ =	swait.ge [sflag:s19], $0x60  }
0x23: {  	[sflag:s19] =	ssyncset.done $0x0  }
0x24: {  	[sflag:s19] =	ssyncadd.s32 $0xFFFFFFA0  }
0x25: {  	_ =	swait.ge [sflag:s19], $0x60  }
0x26: {  	[sflag:s19] =	ssyncset.done $0x0  }
0x27: {  	[sflag:s19] =	ssyncadd.s32 $0xFFFFFFA0  }
0x28: {  	_ =	swait.ge [sflag:s19], $0x60  }
0x29: {  	s21 =	ssub.s32 $0x2, s21;
	[sflag:s19] =	ssyncset.done $0x0  }
0x2a: {  	s22 =	sshrl.u32 s21, $0x1;
	s20 =	simm.s32 $0x3;
	[sflag:s19] =	ssyncadd.s32 $0xFFFFFFA0  }
0x2b: {  	s21 =	ssub.s32 s21, s22;
	_ =	swait.ge [sflag:s20], $0x3000  }
0x2c: {  	s21 =	smax.u32 s21, $0x1;
	[sflag:s20] =	ssyncset.done $0x0  }
0x2d: {  	p0 =	sne.s32 s21, $0x1;
	[sflag:s20] =	ssyncadd.s32 $0xFFFFD000  }
.Ltmp0:
0x2e: {  	_ =	swait.ge [sflag:s20], $0x3000;
	(pc) =	sbr.rel @!p0 .LBB2_2-.Ltmp0, $4  }
0x2f: {  	[sflag:s20] =	ssyncset.done $0x0  }
0x30: {  	[sflag:s20] =	ssyncadd.s32 $0xFFFFD000  }
0x31: {  	_ =	swait.ge [sflag:s20], $0x3000  }
0x32: {  	s21 =	sadd.s32 $0xFFFFFFFF, s21;
	[sflag:s20] =	ssyncset.done $0x0  }
.LBB2_1:
0x33: {  	p0 =	sne.s32 s21, $0x1;
	s21 =	sadd.s32 $0xFFFFFFFF, s21;
	[sflag:s20] =	ssyncadd.s32 $0xFFFFD000  }
0x34: {  	[tilespmem:s3], [sflag:$0x4] =	stream.linear.gather [hbm4b:s4+s3], $0x180, $0x38;
	[tilespmem:$0x9200] =	vst v63  }
0x35: {  	_ =	swait.ge [sflag:s5], $0x180  }
0x36: {  	[sflag:s5] =	ssyncset.done $0x0  }
0x37: {  	[sflag:s5] =	ssyncadd.s32 $0xFFFFFE80  }
0x38: {  	[tilespmem:s7], [sflag:$0x1] =	stream.indirect.gather [hbm4b:s1+s6], $0x80, s3, s6, $0xb8;
	[tilespmem:$0x9200] =	vst v63  }
0x39: {  	_ = 	snop  }
0x3a: {  	[tilespmem:s9], [sflag:$0x1] =	stream.indirect.gather [hbm4b:s1+s6], $0x80, s8, s6, $0xb8;
	[tilespmem:$0x9200] =	vst v63  }
0x3b: {  	_ = 	snop  }
0x3c: {  	[tilespmem:s11], [sflag:$0x1] =	stream.indirect.gather [hbm4b:s1+s6], $0x80, s10, s6, $0xb8;
	[tilespmem:$0x9200] =	vst v63  }
0x3d: {  	_ = 	snop  }
0x3e: {  	[hbm4b:s12+s3] =	stream.linear.scatter [tilespmem:s3], [sflag:$0x2], $0x60, $0x38;
	[tilespmem:$0x9200] =	vst v63  }
0x3f: {  	_ = 	snop  }
0x40: {  	[hbm4b:s13+s3] =	stream.linear.scatter [tilespmem:s8], [sflag:$0x2], $0x60, $0x38;
	[tilespmem:$0x9200] =	vst v63  }
0x41: {  	_ = 	snop  }
0x42: {  	[hbm4b:s14+s3] =	stream.linear.scatter [tilespmem:s10], [sflag:$0x2], $0x60, $0x38;
	[tilespmem:$0x9200] =	vst v63  }
0x43: {  	_ =	swait.ge [sflag:s15], $0x3000  }
0x44: {  	[sflag:s15] =	ssyncset.done $0x0  }
0x45: {  	[sflag:s15] =	ssyncadd.s32 $0xFFFFD000  }
0x46: {  	[hbm4b:s16+s3] =	stream.linear.scatter [tilespmem:s7], [sflag:$0x3], $0x3000, $0x38;
	[tilespmem:$0x9200] =	vst v63  }
0x47: {  	_ =	swait.ge [sflag:s15], $0x3000  }
0x48: {  	[sflag:s15] =	ssyncset.done $0x0  }
0x49: {  	[sflag:s15] =	ssyncadd.s32 $0xFFFFD000  }
0x4a: {  	[hbm4b:s17+s3] =	stream.linear.scatter [tilespmem:s9], [sflag:$0x3], $0x3000, $0x38;
	[tilespmem:$0x9200] =	vst v63  }
0x4b: {  	_ =	swait.ge [sflag:s15], $0x3000  }
0x4c: {  	[sflag:s15] =	ssyncset.done $0x0  }
0x4d: {  	[sflag:s15] =	ssyncadd.s32 $0xFFFFD000  }
0x4e: {  	[hbm4b:s18+s3] =	stream.linear.scatter [tilespmem:s11], [sflag:$0x3], $0x3000, $0x38;
	[tilespmem:$0x9200] =	vst v63  }
0x4f: {  	_ =	swait.ge [sflag:s19], $0x60  }
0x50: {  	[sflag:s19] =	ssyncset.done $0x0  }
0x51: {  	[sflag:s19] =	ssyncadd.s32 $0xFFFFFFA0  }
0x52: {  	_ =	swait.ge [sflag:s19], $0x60  }
0x53: {  	[sflag:s19] =	ssyncset.done $0x0  }
0x54: {  	[sflag:s19] =	ssyncadd.s32 $0xFFFFFFA0  }
0x55: {  	_ =	swait.ge [sflag:s19], $0x60  }
0x56: {  	[sflag:s19] =	ssyncset.done $0x0  }
0x57: {  	[sflag:s19] =	ssyncadd.s32 $0xFFFFFFA0  }
0x58: {  	_ =	swait.ge [sflag:s20], $0x3000  }
0x59: {  	[sflag:s20] =	ssyncset.done $0x0  }
0x5a: {  	[sflag:s20] =	ssyncadd.s32 $0xFFFFD000  }
.Ltmp1:
0x5b: {  	_ =	swait.ge [sflag:s20], $0x3000;
	(pc) =	sbr.rel @p0 .LBB2_1-.Ltmp1, $4  }
0x5c: {  	[sflag:s20] =	ssyncset.done $0x0  }
0x5d: {  	[sflag:s20] =	ssyncadd.s32 $0xFFFFD000  }
0x5e: {  	_ =	swait.ge [sflag:s20], $0x3000  }
0x5f: {  	[sflag:s20] =	ssyncset.done $0x0  }
.LBB2_2:
0x60: {  	[sflag:s20] =	ssyncadd.s32 $0xFFFFD000  }
0x61: {  	_ =	sfence.sel $0x180000  }
0x62: {  	[bflag:$0x0] =	sbarrier.arrive $0xFFFF  }
0x63: {  	p0 =	sne.s32 s0, $0x0;
	_ =	strace $0x90000047  }
0x64: {  	s0 =	sadd.s32 @!p0 $0x100000, s2;
	[bflag:$0x2] =	sbarrier.arrive $0xFFFF  }
0x65: {  	[sflag:s0] =	ssyncadd.tile.s32 @!p0 $0x1;
	_ =	shalt  }
.Lfunc_end2:
_tile_overlayer_lowered:
.L_overlay_start_2:
0x66: {  	(tag) =	ssettag $0x2  }
0x67: {  	s0 =	rddreg [dreg:$0x0];
	s2 =	stileid.u32  }
0x68: {  	s1 =	rddreg [dreg:$0x1];
	p0 =	sne.s32 s2, $0x0  }
0x69: {  	s3 =	rddreg [dreg:$0x2];
	[bflag:$0x3] =	sbarrier.arrive $0xFFFF;
	s2 =	simm.s32 @!p0 $0x1C04  }
0x6a: {  	[timem:s3], [sflag:s2] =	dma.local @!p0 [hbm:s0], s1  }
0x6b: {  	s0 =	simm.s32 @!p0 $0x4  }
0x6c: {  	_ =	swait.ge @!p0 [sflag:s0], s1  }
0x6d: {  	s1 =	ssub.s32 @!p0 $0x0, s1;
	[sflag:s0] =	ssyncset.done @!p0 $0x0  }
0x6e: {  	[sflag:s0] =	ssyncadd.s32 @!p0 s1  }
0x6f: {  	[bflag:$0x3] =	sbarrier.arrive $0xFFFF  }
0x70: {  	_ =	shalt  }

</sc_bundles>
